<compile_context>
chip_gen: v7x
topology: tpu7x:2x2x1
jax: 0.10.2.dev20260603
libtpu: 0.0.44.dev20260713+nightly
codegen_flags: <defaults>
</compile_context>

<pallas_src>
import math

import jax
import jax.numpy as jnp
from jax import lax
from jax.experimental import pallas as pl
from jax.experimental.pallas import tpu as pltpu
from jax.experimental.pallas import tpu_sc as plsc

VOCAB = 1000000
EMB = 64
BATCH = 4096
SEQ = 200
SCALE = math.sqrt(EMB)

NC = 2
NS = 16
NW = NC * NS
LANES = 16

TRW = 8192
TRG = (VOCAB + TRW - 1) // TRW
RM_ROWS = TRG * (TRW // 2)

_MESH = plsc.VectorSubcoreMesh(
    core_axis_name="c", subcore_axis_name="s", num_cores=NC, num_subcores=NS
)
_PARAMS = pltpu.CompilerParams(
    use_tc_tiling_on_sc=True, needs_layout_passes=False)


def _tr_body(in_ref, out_ref):
    x = in_ref[...]
    out_ref[:, 0:64] = x[:, 0:4096].T
    out_ref[:, 64:128] = x[:, 4096:8192].T


_tr_call = pl.pallas_call(
    _tr_body,
    grid=(TRG,),
    in_specs=[pl.BlockSpec((EMB, TRW), lambda i: (0, i))],
    out_specs=pl.BlockSpec((TRW // 2, 128), lambda i: (i, 0)),
    out_shape=jax.ShapeDtypeStruct((RM_ROWS, 128), jnp.float32),
)


def _wid():
    return lax.axis_index("s") * NC + lax.axis_index("c")


def _splat(x):
    return jnp.zeros((LANES,), jnp.int32) + x


def _gather_body(tokT, tabRM, outP, tok_v, idx0, idx1, par0, par1,
                 g0, g1, ov0, ov1, gsem0, gsem1, osem0, osem1):
    w = _wid()
    lane0 = pl.multiple_of(w * 128, 128)
    lanes = lax.iota(jnp.int32, LANES)
    row_id = [_splat(l * 16) + lanes for l in range(8)]
    idxs = (idx0, idx1)
    pars = (par0, par1)
    gbufs = (g0, g1)
    ovs = (ov0, ov1)
    gsems = (gsem0, gsem1)
    osems = (osem0, osem1)

    pltpu.sync_copy(tokT.at[:, pl.ds(lane0, 128)], tok_v)

    def prep_and_fire(p, b):
        for l in range(8):
            t = tok_v[p, pl.ds(l * 16, 16)]
            idxs[b][pl.ds(l * 16, 16)] = jnp.bitwise_or(
                jnp.bitwise_and(lax.shift_right_logical(t, 1), -4096),
                jnp.bitwise_and(t, 4095))
            pars[b][pl.ds(l * 16, 16)] = lax.shift_right_logical(
                jnp.bitwise_and(t, 4096), 6)
        for l in range(8):
            pltpu.async_copy(
                tabRM.at[idxs[b].at[pl.ds(l * 16, 16)]],
                gbufs[b].at[pl.ds(l * 16, 16)],
                gsems[b])

    def wait_gather(b):
        for l in range(8):
            pltpu.make_async_copy(
                tabRM.at[idxs[b].at[pl.ds(l * 16, 16)]],
                gbufs[b].at[pl.ds(l * 16, 16)],
                gsems[b]).wait()

    def extract(p, b):
        par_l = [pars[b][pl.ds(l * 16, 16)] for l in range(8)]

        def ebody(e2, carry):
            vs = []
            for de in range(2):
                e = 2 * e2 + de
                for l in range(8):
                    vs.append(
                        plsc.load_gather(gbufs[b], [row_id[l], par_l[l] + e]))
            i = 0
            for de in range(2):
                for l in range(8):
                    ovs[b][2 * e2 + de, pl.ds(l * 16, 16)] = vs[i] * SCALE
                    i += 1
            return carry

        lax.fori_loop(0, EMB // 2, ebody, 0)
        pltpu.async_copy(ovs[b], outP.at[p, :, pl.ds(lane0, 128)], osems[b])

    prep_and_fire(0, 0)

    def body(j, carry):
        for b in range(2):
            p = 2 * j + b

            @pl.when(p + 1 < SEQ)
            def _():
                prep_and_fire(p + 1, 1 - b)

            wait_gather(b)

            @pl.when(p >= 2)
            def _():
                pltpu.make_async_copy(
                    ovs[b], outP.at[p, :, pl.ds(lane0, 128)], osems[b]).wait()

            extract(p, b)
        return carry

    lax.fori_loop(0, SEQ // 2, body, 0)

    for b in range(2):
        p = SEQ - 2 + b
        pltpu.make_async_copy(
            ovs[b], outP.at[p, :, pl.ds(lane0, 128)], osems[b]).wait()


_gather_call = pl.kernel(
    _gather_body,
    out_type=jax.ShapeDtypeStruct((SEQ, EMB, BATCH), jnp.float32),
    mesh=_MESH,
    scratch_types=[
        pltpu.VMEM((SEQ, 128), jnp.int32),
        pltpu.VMEM((128,), jnp.int32),
        pltpu.VMEM((128,), jnp.int32),
        pltpu.VMEM((128,), jnp.int32),
        pltpu.VMEM((128,), jnp.int32),
        pltpu.VMEM((128, 128), jnp.float32),
        pltpu.VMEM((128, 128), jnp.float32),
        pltpu.VMEM((EMB, 128), jnp.float32),
        pltpu.VMEM((EMB, 128), jnp.float32),
        pltpu.SemaphoreType.DMA,
        pltpu.SemaphoreType.DMA,
        pltpu.SemaphoreType.DMA,
        pltpu.SemaphoreType.DMA,
    ],
    compiler_params=_PARAMS,
)


@jax.jit
def kernel(tokens, table):
    tokT = tokens.astype(jnp.int32).T
    tabT = table.T
    tabRM = _tr_call(tabT)
    outP = _gather_call(tokT, tabRM)
    return outP.transpose(2, 0, 1)

# --- scband reference (transcript-rebuilt; emitter-appended) ---
"""Pipeline reference for scband-token-embedding-51067161149881 (READ-ONLY COPY).

The authoritative reference and input builder live on the scoring server;
editing this copy changes nothing except your own understanding.
"""

import jax, jax.numpy as jnp
import numpy as np
import math

VOCAB = 1000000
EMB = 64

def setup_inputs(seed: int = 0) -> dict:
    key = jax.random.key(seed)
    k1, k2 = jax.random.split(key)
    tokens = jax.random.randint(k1, (4096, 200), 0, VOCAB, dtype=jnp.int64 if jax.config.jax_enable_x64 else jnp.int32)
    table = jax.random.normal(k2, (VOCAB, EMB), dtype=jnp.float32)
    return {"tokens": tokens, "table": table}

def reference(tokens, table):
    # TokenEmbedding.forward: embedding(tokens.long()) * sqrt(emb_size)
    emb = jnp.take(table, tokens, axis=0)
    return emb * math.sqrt(EMB)

if __name__ == "__main__":
    import jax
    _d = setup_inputs()
    print(jax.jit(kernel)(*tuple(_d.values())))

</pallas_src>

<mosaic_0001>
#map = affine_map<(d0, d1) -> (0, 0)>
#map1 = affine_map<(d0, d1) -> (0, 0, 0)>
module attributes {stable_mosaic.version = 14 : i64} {
  func.func @_gather_body(%arg0: i32, %arg1: i32, %arg2: memref<200x4096xi32, #tpu.memory_space<hbm>>, %arg3: memref<503808x128xf32, #tpu.memory_space<hbm>>, %arg4: memref<200x64x4096xf32, #tpu.memory_space<hbm>>, %arg5: memref<200x128xi32, #tpu.memory_space<vmem>>, %arg6: memref<128xi32, #tpu.memory_space<vmem>>, %arg7: memref<128xi32, #tpu.memory_space<vmem>>, %arg8: memref<128xi32, #tpu.memory_space<vmem>>, %arg9: memref<128xi32, #tpu.memory_space<vmem>>, %arg10: memref<128x128xf32, #tpu.memory_space<vmem>>, %arg11: memref<128x128xf32, #tpu.memory_space<vmem>>, %arg12: memref<64x128xf32, #tpu.memory_space<vmem>>, %arg13: memref<64x128xf32, #tpu.memory_space<vmem>>, %arg14: memref<!tpu.dma_semaphore, #tpu.memory_space<semaphore_mem>>, %arg15: memref<!tpu.dma_semaphore, #tpu.memory_space<semaphore_mem>>, %arg16: memref<!tpu.dma_semaphore, #tpu.memory_space<semaphore_mem>>, %arg17: memref<!tpu.dma_semaphore, #tpu.memory_space<semaphore_mem>>) attributes {dimension_semantics = [#tpu.dimension_semantics<core_parallel>, #tpu.dimension_semantics<subcore_parallel>], iteration_bounds = array<i64: 2, 16>, scalar_prefetch = 0 : i64, scratch_operands = 13 : i64, tpu.core_type = #tpu.core_type<sc_vector_subcore>, window_params = [{transform_indices = #map}, {transform_indices = #map}, {transform_indices = #map1}]} {
    %mul3A = arith.constant 2 : i32
    %mul3A_0 = arith.muli %arg1, %mul3A : i32
    %add3A = arith.addi %mul3A_0, %arg0 : i32
    %mul3A_1 = arith.constant 128 : i32
    %mul3A_2 = arith.muli %add3A, %mul3A_1 : i32
    %multiple_of3A = tpu.assume_multiple %mul3A_2, 128 : i32
    %iota3A = tpu.iota {dimensions = array<i32: 0>} : vector<16xi32>
    %broadcast_in_dim3A = arith.constant 0 : i32
    %broadcast_in_dim3A_3 = vector.broadcast %broadcast_in_dim3A : i32 to vector<16xi32>
    %add3A_4 = arith.constant 0 : i32
    %add3A_5 = vector.broadcast %add3A_4 : i32 to vector<16xi32>
    %add3A_6 = arith.addi %broadcast_in_dim3A_3, %add3A_5 : vector<16xi32>
    %add3A_7 = arith.addi %add3A_6, %iota3A : vector<16xi32>
    %broadcast_in_dim3A_8 = arith.constant 0 : i32
    %broadcast_in_dim3A_9 = vector.broadcast %broadcast_in_dim3A_8 : i32 to vector<16xi32>
    %add3A_10 = arith.constant 16 : i32
    %add3A_11 = vector.broadcast %add3A_10 : i32 to vector<16xi32>
    %add3A_12 = arith.addi %broadcast_in_dim3A_9, %add3A_11 : vector<16xi32>
    %add3A_13 = arith.addi %add3A_12, %iota3A : vector<16xi32>
    %broadcast_in_dim3A_14 = arith.constant 0 : i32
    %broadcast_in_dim3A_15 = vector.broadcast %broadcast_in_dim3A_14 : i32 to vector<16xi32>
    %add3A_16 = arith.constant 32 : i32
    %add3A_17 = vector.broadcast %add3A_16 : i32 to vector<16xi32>
    %add3A_18 = arith.addi %broadcast_in_dim3A_15, %add3A_17 : vector<16xi32>
    %add3A_19 = arith.addi %add3A_18, %iota3A : vector<16xi32>
    %broadcast_in_dim3A_20 = arith.constant 0 : i32
    %broadcast_in_dim3A_21 = vector.broadcast %broadcast_in_dim3A_20 : i32 to vector<16xi32>
    %add3A_22 = arith.constant 48 : i32
    %add3A_23 = vector.broadcast %add3A_22 : i32 to vector<16xi32>
    %add3A_24 = arith.addi %broadcast_in_dim3A_21, %add3A_23 : vector<16xi32>
    %add3A_25 = arith.addi %add3A_24, %iota3A : vector<16xi32>
    %broadcast_in_dim3A_26 = arith.constant 0 : i32
    %broadcast_in_dim3A_27 = vector.broadcast %broadcast_in_dim3A_26 : i32 to vector<16xi32>
    %add3A_28 = arith.constant 64 : i32
    %add3A_29 = vector.broadcast %add3A_28 : i32 to vector<16xi32>
    %add3A_30 = arith.addi %broadcast_in_dim3A_27, %add3A_29 : vector<16xi32>
    %add3A_31 = arith.addi %add3A_30, %iota3A : vector<16xi32>
    %broadcast_in_dim3A_32 = arith.constant 0 : i32
    %broadcast_in_dim3A_33 = vector.broadcast %broadcast_in_dim3A_32 : i32 to vector<16xi32>
    %add3A_34 = arith.constant 80 : i32
    %add3A_35 = vector.broadcast %add3A_34 : i32 to vector<16xi32>
    %add3A_36 = arith.addi %broadcast_in_dim3A_33, %add3A_35 : vector<16xi32>
    %add3A_37 = arith.addi %add3A_36, %iota3A : vector<16xi32>
    %broadcast_in_dim3A_38 = arith.constant 0 : i32
    %broadcast_in_dim3A_39 = vector.broadcast %broadcast_in_dim3A_38 : i32 to vector<16xi32>
    %add3A_40 = arith.constant 96 : i32
    %add3A_41 = vector.broadcast %add3A_40 : i32 to vector<16xi32>
    %add3A_42 = arith.addi %broadcast_in_dim3A_39, %add3A_41 : vector<16xi32>
    %add3A_43 = arith.addi %add3A_42, %iota3A : vector<16xi32>
    %broadcast_in_dim3A_44 = arith.constant 0 : i32
    %broadcast_in_dim3A_45 = vector.broadcast %broadcast_in_dim3A_44 : i32 to vector<16xi32>
    %add3A_46 = arith.constant 112 : i32
    %add3A_47 = vector.broadcast %add3A_46 : i32 to vector<16xi32>
    %add3A_48 = arith.addi %broadcast_in_dim3A_45, %add3A_47 : vector<16xi32>
    %add3A_49 = arith.addi %add3A_48, %iota3A : vector<16xi32>
    "tpu.region"() ({
      %run_scoped3A = tpu.sem_alloc : memref<!tpu.dma_semaphore, #tpu.memory_space<semaphore_mem>>
      %dma_start3A_318 = arith.constant 0 : i32
      %dma_start3A_319 = tpu.memref_slice %arg2[%dma_start3A_318, %multiple_of3A] : memref<200x4096xi32, #tpu.memory_space<hbm>> -> memref<200x128xi32, #tpu.memory_space<hbm>>
      %dma_start3A_320 = arith.constant 0 : i32
      %dma_start3A_321 = tpu.memref_slice %arg2[%dma_start3A_320, %multiple_of3A] : memref<200x4096xi32, #tpu.memory_space<hbm>> -> memref<200x128xi32, #tpu.memory_space<hbm>>
      tpu.enqueue_dma source(%dma_start3A_321 : memref<200x128xi32, #tpu.memory_space<hbm>>) target(%arg5 : memref<200x128xi32, #tpu.memory_space<vmem>>) target_semaphore(%run_scoped3A : memref<!tpu.dma_semaphore, #tpu.memory_space<semaphore_mem>>)
      %dma_wait3A_322 = arith.constant 0 : i32
      %dma_wait3A_323 = tpu.memref_slice %arg2[%dma_wait3A_322, %multiple_of3A] : memref<200x4096xi32, #tpu.memory_space<hbm>> -> memref<200x128xi32, #tpu.memory_space<hbm>>
      %dma_wait3A_324 = arith.constant 0 : i32
      %dma_wait3A_325 = tpu.memref_slice %arg2[%dma_wait3A_324, %multiple_of3A] : memref<200x4096xi32, #tpu.memory_space<hbm>> -> memref<200x128xi32, #tpu.memory_space<hbm>>
      tpu.wait_dma2 semaphore(%run_scoped3A : memref<!tpu.dma_semaphore, #tpu.memory_space<semaphore_mem>>) src(%dma_wait3A_325 : memref<200x128xi32, #tpu.memory_space<hbm>>) dst(%arg5 : memref<200x128xi32, #tpu.memory_space<vmem>>)
      tpu.yield
    }) : () -> ()
    %get3A = arith.constant 0 : i32
    %get3A_50 = arith.index_cast %get3A : i32 to index
    %get3A_51 = arith.constant 0 : index
    %get3A_52 = tpu.vector_load %arg5[%get3A_50, %get3A_51] {strides = array<i32>} : memref<200x128xi32, #tpu.memory_space<vmem>>, vector<16xi32>,
    %shift_right_logical3A = arith.constant 1 : i32
    %shift_right_logical3A_53 = vector.broadcast %shift_right_logical3A : i32 to vector<16xi32>
    %shift_right_logical3A_54 = arith.shrui %get3A_52, %shift_right_logical3A_53 : vector<16xi32>
    %and3A = arith.constant -4096 : i32
    %and3A_55 = vector.broadcast %and3A : i32 to vector<16xi32>
    %and3A_56 = arith.andi %shift_right_logical3A_54, %and3A_55 : vector<16xi32>
    %and3A_57 = arith.constant 4095 : i32
    %and3A_58 = vector.broadcast %and3A_57 : i32 to vector<16xi32>
    %and3A_59 = arith.andi %get3A_52, %and3A_58 : vector<16xi32>
    %or3A = arith.ori %and3A_56, %and3A_59 : vector<16xi32>
    %swap3A = arith.constant 0 : index
    %swap3A_60 = tpu.vector_load %arg6[%swap3A] {strides = array<i32>} : memref<128xi32, #tpu.memory_space<vmem>>, vector<16xi32>,
    tpu.vector_store %arg6[%swap3A], %or3A {strides = array<i32>} : memref<128xi32, #tpu.memory_space<vmem>>, vector<16xi32>,
    %and3A_61 = arith.constant 4096 : i32
    %and3A_62 = vector.broadcast %and3A_61 : i32 to vector<16xi32>
    %and3A_63 = arith.andi %get3A_52, %and3A_62 : vector<16xi32>
    %shift_right_logical3A_64 = arith.constant 6 : i32
    %shift_right_logical3A_65 = vector.broadcast %shift_right_logical3A_64 : i32 to vector<16xi32>
    %shift_right_logical3A_66 = arith.shrui %and3A_63, %shift_right_logical3A_65 : vector<16xi32>
    %swap3A_67 = arith.constant 0 : index
    %swap3A_68 = tpu.vector_load %arg8[%swap3A_67] {strides = array<i32>} : memref<128xi32, #tpu.memory_space<vmem>>, vector<16xi32>,
    tpu.vector_store %arg8[%swap3A_67], %shift_right_logical3A_66 {strides = array<i32>} : memref<128xi32, #tpu.memory_space<vmem>>, vector<16xi32>,
    %get3A_69 = arith.constant 0 : i32
    %get3A_70 = arith.index_cast %get3A_69 : i32 to index
    %get3A_71 = arith.constant 16 : index
    %get3A_72 = tpu.vector_load %arg5[%get3A_70, %get3A_71] {strides = array<i32>} : memref<200x128xi32, #tpu.memory_space<vmem>>, vector<16xi32>,
    %shift_right_logical3A_73 = arith.constant 1 : i32
    %shift_right_logical3A_74 = vector.broadcast %shift_right_logical3A_73 : i32 to vector<16xi32>
    %shift_right_logical3A_75 = arith.shrui %get3A_72, %shift_right_logical3A_74 : vector<16xi32>
    %and3A_76 = arith.constant -4096 : i32
    %and3A_77 = vector.broadcast %and3A_76 : i32 to vector<16xi32>
    %and3A_78 = arith.andi %shift_right_logical3A_75, %and3A_77 : vector<16xi32>
    %and3A_79 = arith.constant 4095 : i32
    %and3A_80 = vector.broadcast %and3A_79 : i32 to vector<16xi32>
    %and3A_81 = arith.andi %get3A_72, %and3A_80 : vector<16xi32>
    %or3A_82 = arith.ori %and3A_78, %and3A_81 : vector<16xi32>
    %swap3A_83 = arith.constant 16 : index
    %swap3A_84 = tpu.vector_load %arg6[%swap3A_83] {strides = array<i32>} : memref<128xi32, #tpu.memory_space<vmem>>, vector<16xi32>,
    tpu.vector_store %arg6[%swap3A_83], %or3A_82 {strides = array<i32>} : memref<128xi32, #tpu.memory_space<vmem>>, vector<16xi32>,
    %and3A_85 = arith.constant 4096 : i32
    %and3A_86 = vector.broadcast %and3A_85 : i32 to vector<16xi32>
    %and3A_87 = arith.andi %get3A_72, %and3A_86 : vector<16xi32>
    %shift_right_logical3A_88 = arith.constant 6 : i32
    %shift_right_logical3A_89 = vector.broadcast %shift_right_logical3A_88 : i32 to vector<16xi32>
    %shift_right_logical3A_90 = arith.shrui %and3A_87, %shift_right_logical3A_89 : vector<16xi32>
    %swap3A_91 = arith.constant 16 : index
    %swap3A_92 = tpu.vector_load %arg8[%swap3A_91] {strides = array<i32>} : memref<128xi32, #tpu.memory_space<vmem>>, vector<16xi32>,
    tpu.vector_store %arg8[%swap3A_91], %shift_right_logical3A_90 {strides = array<i32>} : memref<128xi32, #tpu.memory_space<vmem>>, vector<16xi32>,
    %get3A_93 = arith.constant 0 : i32
    %get3A_94 = arith.index_cast %get3A_93 : i32 to index
    %get3A_95 = arith.constant 32 : index
    %get3A_96 = tpu.vector_load %arg5[%get3A_94, %get3A_95] {strides = array<i32>} : memref<200x128xi32, #tpu.memory_space<vmem>>, vector<16xi32>,
    %shift_right_logical3A_97 = arith.constant 1 : i32
    %shift_right_logical3A_98 = vector.broadcast %shift_right_logical3A_97 : i32 to vector<16xi32>
    %shift_right_logical3A_99 = arith.shrui %get3A_96, %shift_right_logical3A_98 : vector<16xi32>
    %and3A_100 = arith.constant -4096 : i32
    %and3A_101 = vector.broadcast %and3A_100 : i32 to vector<16xi32>
    %and3A_102 = arith.andi %shift_right_logical3A_99, %and3A_101 : vector<16xi32>
    %and3A_103 = arith.constant 4095 : i32
    %and3A_104 = vector.broadcast %and3A_103 : i32 to vector<16xi32>
    %and3A_105 = arith.andi %get3A_96, %and3A_104 : vector<16xi32>
    %or3A_106 = arith.ori %and3A_102, %and3A_105 : vector<16xi32>
    %swap3A_107 = arith.constant 32 : index
    %swap3A_108 = tpu.vector_load %arg6[%swap3A_107] {strides = array<i32>} : memref<128xi32, #tpu.memory_space<vmem>>, vector<16xi32>,
    tpu.vector_store %arg6[%swap3A_107], %or3A_106 {strides = array<i32>} : memref<128xi32, #tpu.memory_space<vmem>>, vector<16xi32>,
    %and3A_109 = arith.constant 4096 : i32
    %and3A_110 = vector.broadcast %and3A_109 : i32 to vector<16xi32>
    %and3A_111 = arith.andi %get3A_96, %and3A_110 : vector<16xi32>
    %shift_right_logical3A_112 = arith.constant 6 : i32
    %shift_right_logical3A_113 = vector.broadcast %shift_right_logical3A_112 : i32 to vector<16xi32>
    %shift_right_logical3A_114 = arith.shrui %and3A_111, %shift_right_logical3A_113 : vector<16xi32>
    %swap3A_115 = arith.constant 32 : index
    %swap3A_116 = tpu.vector_load %arg8[%swap3A_115] {strides = array<i32>} : memref<128xi32, #tpu.memory_space<vmem>>, vector<16xi32>,
    tpu.vector_store %arg8[%swap3A_115], %shift_right_logical3A_114 {strides = array<i32>} : memref<128xi32, #tpu.memory_space<vmem>>, vector<16xi32>,
    %get3A_117 = arith.constant 0 : i32
    %get3A_118 = arith.index_cast %get3A_117 : i32 to index
    %get3A_119 = arith.constant 48 : index
    %get3A_120 = tpu.vector_load %arg5[%get3A_118, %get3A_119] {strides = array<i32>} : memref<200x128xi32, #tpu.memory_space<vmem>>, vector<16xi32>,
    %shift_right_logical3A_121 = arith.constant 1 : i32
    %shift_right_logical3A_122 = vector.broadcast %shift_right_logical3A_121 : i32 to vector<16xi32>
    %shift_right_logical3A_123 = arith.shrui %get3A_120, %shift_right_logical3A_122 : vector<16xi32>
    %and3A_124 = arith.constant -4096 : i32
    %and3A_125 = vector.broadcast %and3A_124 : i32 to vector<16xi32>
    %and3A_126 = arith.andi %shift_right_logical3A_123, %and3A_125 : vector<16xi32>
    %and3A_127 = arith.constant 4095 : i32
    %and3A_128 = vector.broadcast %and3A_127 : i32 to vector<16xi32>
    %and3A_129 = arith.andi %get3A_120, %and3A_128 : vector<16xi32>
    %or3A_130 = arith.ori %and3A_126, %and3A_129 : vector<16xi32>
    %swap3A_131 = arith.constant 48 : index
    %swap3A_132 = tpu.vector_load %arg6[%swap3A_131] {strides = array<i32>} : memref<128xi32, #tpu.memory_space<vmem>>, vector<16xi32>,
    tpu.vector_store %arg6[%swap3A_131], %or3A_130 {strides = array<i32>} : memref<128xi32, #tpu.memory_space<vmem>>, vector<16xi32>,
    %and3A_133 = arith.constant 4096 : i32
    %and3A_134 = vector.broadcast %and3A_133 : i32 to vector<16xi32>
    %and3A_135 = arith.andi %get3A_120, %and3A_134 : vector<16xi32>
    %shift_right_logical3A_136 = arith.constant 6 : i32
    %shift_right_logical3A_137 = vector.broadcast %shift_right_logical3A_136 : i32 to vector<16xi32>
    %shift_right_logical3A_138 = arith.shrui %and3A_135, %shift_right_logical3A_137 : vector<16xi32>
    %swap3A_139 = arith.constant 48 : index
    %swap3A_140 = tpu.vector_load %arg8[%swap3A_139] {strides = array<i32>} : memref<128xi32, #tpu.memory_space<vmem>>, vector<16xi32>,
    tpu.vector_store %arg8[%swap3A_139], %shift_right_logical3A_138 {strides = array<i32>} : memref<128xi32, #tpu.memory_space<vmem>>, vector<16xi32>,
    %get3A_141 = arith.constant 0 : i32
    %get3A_142 = arith.index_cast %get3A_141 : i32 to index
    %get3A_143 = arith.constant 64 : index
    %get3A_144 = tpu.vector_load %arg5[%get3A_142, %get3A_143] {strides = array<i32>} : memref<200x128xi32, #tpu.memory_space<vmem>>, vector<16xi32>,
    %shift_right_logical3A_145 = arith.constant 1 : i32
    %shift_right_logical3A_146 = vector.broadcast %shift_right_logical3A_145 : i32 to vector<16xi32>
    %shift_right_logical3A_147 = arith.shrui %get3A_144, %shift_right_logical3A_146 : vector<16xi32>
    %and3A_148 = arith.constant -4096 : i32
    %and3A_149 = vector.broadcast %and3A_148 : i32 to vector<16xi32>
    %and3A_150 = arith.andi %shift_right_logical3A_147, %and3A_149 : vector<16xi32>
    %and3A_151 = arith.constant 4095 : i32
    %and3A_152 = vector.broadcast %and3A_151 : i32 to vector<16xi32>
    %and3A_153 = arith.andi %get3A_144, %and3A_152 : vector<16xi32>
    %or3A_154 = arith.ori %and3A_150, %and3A_153 : vector<16xi32>
    %swap3A_155 = arith.constant 64 : index
    %swap3A_156 = tpu.vector_load %arg6[%swap3A_155] {strides = array<i32>} : memref<128xi32, #tpu.memory_space<vmem>>, vector<16xi32>,
    tpu.vector_store %arg6[%swap3A_155], %or3A_154 {strides = array<i32>} : memref<128xi32, #tpu.memory_space<vmem>>, vector<16xi32>,
    %and3A_157 = arith.constant 4096 : i32
    %and3A_158 = vector.broadcast %and3A_157 : i32 to vector<16xi32>
    %and3A_159 = arith.andi %get3A_144, %and3A_158 : vector<16xi32>
    %shift_right_logical3A_160 = arith.constant 6 : i32
    %shift_right_logical3A_161 = vector.broadcast %shift_right_logical3A_160 : i32 to vector<16xi32>
    %shift_right_logical3A_162 = arith.shrui %and3A_159, %shift_right_logical3A_161 : vector<16xi32>
    %swap3A_163 = arith.constant 64 : index
    %swap3A_164 = tpu.vector_load %arg8[%swap3A_163] {strides = array<i32>} : memref<128xi32, #tpu.memory_space<vmem>>, vector<16xi32>,
    tpu.vector_store %arg8[%swap3A_163], %shift_right_logical3A_162 {strides = array<i32>} : memref<128xi32, #tpu.memory_space<vmem>>, vector<16xi32>,
    %get3A_165 = arith.constant 0 : i32
    %get3A_166 = arith.index_cast %get3A_165 : i32 to index
    %get3A_167 = arith.constant 80 : index
    %get3A_168 = tpu.vector_load %arg5[%get3A_166, %get3A_167] {strides = array<i32>} : memref<200x128xi32, #tpu.memory_space<vmem>>, vector<16xi32>,
    %shift_right_logical3A_169 = arith.constant 1 : i32
    %shift_right_logical3A_170 = vector.broadcast %shift_right_logical3A_169 : i32 to vector<16xi32>
    %shift_right_logical3A_171 = arith.shrui %get3A_168, %shift_right_logical3A_170 : vector<16xi32>
    %and3A_172 = arith.constant -4096 : i32
    %and3A_173 = vector.broadcast %and3A_172 : i32 to vector<16xi32>
    %and3A_174 = arith.andi %shift_right_logical3A_171, %and3A_173 : vector<16xi32>
    %and3A_175 = arith.constant 4095 : i32
    %and3A_176 = vector.broadcast %and3A_175 : i32 to vector<16xi32>
    %and3A_177 = arith.andi %get3A_168, %and3A_176 : vector<16xi32>
    %or3A_178 = arith.ori %and3A_174, %and3A_177 : vector<16xi32>
    %swap3A_179 = arith.constant 80 : index
    %swap3A_180 = tpu.vector_load %arg6[%swap3A_179] {strides = array<i32>} : memref<128xi32, #tpu.memory_space<vmem>>, vector<16xi32>,
    tpu.vector_store %arg6[%swap3A_179], %or3A_178 {strides = array<i32>} : memref<128xi32, #tpu.memory_space<vmem>>, vector<16xi32>,
    %and3A_181 = arith.constant 4096 : i32
    %and3A_182 = vector.broadcast %and3A_181 : i32 to vector<16xi32>
    %and3A_183 = arith.andi %get3A_168, %and3A_182 : vector<16xi32>
    %shift_right_logical3A_184 = arith.constant 6 : i32
    %shift_right_logical3A_185 = vector.broadcast %shift_right_logical3A_184 : i32 to vector<16xi32>
    %shift_right_logical3A_186 = arith.shrui %and3A_183, %shift_right_logical3A_185 : vector<16xi32>
    %swap3A_187 = arith.constant 80 : index
    %swap3A_188 = tpu.vector_load %arg8[%swap3A_187] {strides = array<i32>} : memref<128xi32, #tpu.memory_space<vmem>>, vector<16xi32>,
    tpu.vector_store %arg8[%swap3A_187], %shift_right_logical3A_186 {strides = array<i32>} : memref<128xi32, #tpu.memory_space<vmem>>, vector<16xi32>,
    %get3A_189 = arith.constant 0 : i32
    %get3A_190 = arith.index_cast %get3A_189 : i32 to index
    %get3A_191 = arith.constant 96 : index
    %get3A_192 = tpu.vector_load %arg5[%get3A_190, %get3A_191] {strides = array<i32>} : memref<200x128xi32, #tpu.memory_space<vmem>>, vector<16xi32>,
    %shift_right_logical3A_193 = arith.constant 1 : i32
    %shift_right_logical3A_194 = vector.broadcast %shift_right_logical3A_193 : i32 to vector<16xi32>
    %shift_right_logical3A_195 = arith.shrui %get3A_192, %shift_right_logical3A_194 : vector<16xi32>
    %and3A_196 = arith.constant -4096 : i32
    %and3A_197 = vector.broadcast %and3A_196 : i32 to vector<16xi32>
    %and3A_198 = arith.andi %shift_right_logical3A_195, %and3A_197 : vector<16xi32>
    %and3A_199 = arith.constant 4095 : i32
    %and3A_200 = vector.broadcast %and3A_199 : i32 to vector<16xi32>
    %and3A_201 = arith.andi %get3A_192, %and3A_200 : vector<16xi32>
    %or3A_202 = arith.ori %and3A_198, %and3A_201 : vector<16xi32>
    %swap3A_203 = arith.constant 96 : index
    %swap3A_204 = tpu.vector_load %arg6[%swap3A_203] {strides = array<i32>} : memref<128xi32, #tpu.memory_space<vmem>>, vector<16xi32>,
    tpu.vector_store %arg6[%swap3A_203], %or3A_202 {strides = array<i32>} : memref<128xi32, #tpu.memory_space<vmem>>, vector<16xi32>,
    %and3A_205 = arith.constant 4096 : i32
    %and3A_206 = vector.broadcast %and3A_205 : i32 to vector<16xi32>
    %and3A_207 = arith.andi %get3A_192, %and3A_206 : vector<16xi32>
    %shift_right_logical3A_208 = arith.constant 6 : i32
    %shift_right_logical3A_209 = vector.broadcast %shift_right_logical3A_208 : i32 to vector<16xi32>
    %shift_right_logical3A_210 = arith.shrui %and3A_207, %shift_right_logical3A_209 : vector<16xi32>
    %swap3A_211 = arith.constant 96 : index
    %swap3A_212 = tpu.vector_load %arg8[%swap3A_211] {strides = array<i32>} : memref<128xi32, #tpu.memory_space<vmem>>, vector<16xi32>,
    tpu.vector_store %arg8[%swap3A_211], %shift_right_logical3A_210 {strides = array<i32>} : memref<128xi32, #tpu.memory_space<vmem>>, vector<16xi32>,
    %get3A_213 = arith.constant 0 : i32
    %get3A_214 = arith.index_cast %get3A_213 : i32 to index
    %get3A_215 = arith.constant 112 : index
    %get3A_216 = tpu.vector_load %arg5[%get3A_214, %get3A_215] {strides = array<i32>} : memref<200x128xi32, #tpu.memory_space<vmem>>, vector<16xi32>,
    %shift_right_logical3A_217 = arith.constant 1 : i32
    %shift_right_logical3A_218 = vector.broadcast %shift_right_logical3A_217 : i32 to vector<16xi32>
    %shift_right_logical3A_219 = arith.shrui %get3A_216, %shift_right_logical3A_218 : vector<16xi32>
    %and3A_220 = arith.constant -4096 : i32
    %and3A_221 = vector.broadcast %and3A_220 : i32 to vector<16xi32>
    %and3A_222 = arith.andi %shift_right_logical3A_219, %and3A_221 : vector<16xi32>
    %and3A_223 = arith.constant 4095 : i32
    %and3A_224 = vector.broadcast %and3A_223 : i32 to vector<16xi32>
    %and3A_225 = arith.andi %get3A_216, %and3A_224 : vector<16xi32>
    %or3A_226 = arith.ori %and3A_222, %and3A_225 : vector<16xi32>
    %swap3A_227 = arith.constant 112 : index
    %swap3A_228 = tpu.vector_load %arg6[%swap3A_227] {strides = array<i32>} : memref<128xi32, #tpu.memory_space<vmem>>, vector<16xi32>,
    tpu.vector_store %arg6[%swap3A_227], %or3A_226 {strides = array<i32>} : memref<128xi32, #tpu.memory_space<vmem>>, vector<16xi32>,
    %and3A_229 = arith.constant 4096 : i32
    %and3A_230 = vector.broadcast %and3A_229 : i32 to vector<16xi32>
    %and3A_231 = arith.andi %get3A_216, %and3A_230 : vector<16xi32>
    %shift_right_logical3A_232 = arith.constant 6 : i32
    %shift_right_logical3A_233 = vector.broadcast %shift_right_logical3A_232 : i32 to vector<16xi32>
    %shift_right_logical3A_234 = arith.shrui %and3A_231, %shift_right_logical3A_233 : vector<16xi32>
    %swap3A_235 = arith.constant 112 : index
    %swap3A_236 = tpu.vector_load %arg8[%swap3A_235] {strides = array<i32>} : memref<128xi32, #tpu.memory_space<vmem>>, vector<16xi32>,
    tpu.vector_store %arg8[%swap3A_235], %shift_right_logical3A_234 {strides = array<i32>} : memref<128xi32, #tpu.memory_space<vmem>>, vector<16xi32>,
    %dma_start3A = arith.constant 0 : i32
    %dma_start3A_237 = arith.constant 0 : i32
    %dma_start3A_238 = tpu.memref_slice %arg10[%dma_start3A, %dma_start3A_237] : memref<128x128xf32, #tpu.memory_space<vmem>> -> memref<16x128xf32, #tpu.memory_space<vmem>>
    %dma_start3A_239 = arith.constant 0 : i32
    %dma_start3A_240 = tpu.memref_slice %arg6[%dma_start3A_239] : memref<128xi32, #tpu.memory_space<vmem>> -> memref<16xi32, #tpu.memory_space<vmem>>
    %dma_start3A_241 = arith.constant 0 : i32
    %dma_start3A_242 = arith.constant 0 : i32
    %dma_start3A_243 = tpu.memref_slice %arg3[%dma_start3A_241, %dma_start3A_242] : memref<503808x128xf32, #tpu.memory_space<hbm>> -> memref<503808x128xf32, #tpu.memory_space<hbm>>
    tpu.enqueue_indirect_dma source(%dma_start3A_243 : memref<503808x128xf32, #tpu.memory_space<hbm>>) target(%dma_start3A_238 : memref<16x128xf32, #tpu.memory_space<vmem>>) offsets(%dma_start3A_240 : memref<16xi32, #tpu.memory_space<vmem>>) semaphore(%arg14 : memref<!tpu.dma_semaphore, #tpu.memory_space<semaphore_mem>>)
    %dma_start3A_244 = arith.constant 16 : i32
    %dma_start3A_245 = arith.constant 0 : i32
    %dma_start3A_246 = tpu.memref_slice %arg10[%dma_start3A_244, %dma_start3A_245] : memref<128x128xf32, #tpu.memory_space<vmem>> -> memref<16x128xf32, #tpu.memory_space<vmem>>
    %dma_start3A_247 = arith.constant 16 : i32
    %dma_start3A_248 = tpu.memref_slice %arg6[%dma_start3A_247] : memref<128xi32, #tpu.memory_space<vmem>> -> memref<16xi32, #tpu.memory_space<vmem>>
    %dma_start3A_249 = arith.constant 0 : i32
    %dma_start3A_250 = arith.constant 0 : i32
    %dma_start3A_251 = tpu.memref_slice %arg3[%dma_start3A_249, %dma_start3A_250] : memref<503808x128xf32, #tpu.memory_space<hbm>> -> memref<503808x128xf32, #tpu.memory_space<hbm>>
    tpu.enqueue_indirect_dma source(%dma_start3A_251 : memref<503808x128xf32, #tpu.memory_space<hbm>>) target(%dma_start3A_246 : memref<16x128xf32, #tpu.memory_space<vmem>>) offsets(%dma_start3A_248 : memref<16xi32, #tpu.memory_space<vmem>>) semaphore(%arg14 : memref<!tpu.dma_semaphore, #tpu.memory_space<semaphore_mem>>)
    %dma_start3A_252 = arith.constant 32 : i32
    %dma_start3A_253 = arith.constant 0 : i32
    %dma_start3A_254 = tpu.memref_slice %arg10[%dma_start3A_252, %dma_start3A_253] : memref<128x128xf32, #tpu.memory_space<vmem>> -> memref<16x128xf32, #tpu.memory_space<vmem>>
    %dma_start3A_255 = arith.constant 32 : i32
    %dma_start3A_256 = tpu.memref_slice %arg6[%dma_start3A_255] : memref<128xi32, #tpu.memory_space<vmem>> -> memref<16xi32, #tpu.memory_space<vmem>>
    %dma_start3A_257 = arith.constant 0 : i32
    %dma_start3A_258 = arith.constant 0 : i32
    %dma_start3A_259 = tpu.memref_slice %arg3[%dma_start3A_257, %dma_start3A_258] : memref<503808x128xf32, #tpu.memory_space<hbm>> -> memref<503808x128xf32, #tpu.memory_space<hbm>>
    tpu.enqueue_indirect_dma source(%dma_start3A_259 : memref<503808x128xf32, #tpu.memory_space<hbm>>) target(%dma_start3A_254 : memref<16x128xf32, #tpu.memory_space<vmem>>) offsets(%dma_start3A_256 : memref<16xi32, #tpu.memory_space<vmem>>) semaphore(%arg14 : memref<!tpu.dma_semaphore, #tpu.memory_space<semaphore_mem>>)
    %dma_start3A_260 = arith.constant 48 : i32
    %dma_start3A_261 = arith.constant 0 : i32
    %dma_start3A_262 = tpu.memref_slice %arg10[%dma_start3A_260, %dma_start3A_261] : memref<128x128xf32, #tpu.memory_space<vmem>> -> memref<16x128xf32, #tpu.memory_space<vmem>>
    %dma_start3A_263 = arith.constant 48 : i32
    %dma_start3A_264 = tpu.memref_slice %arg6[%dma_start3A_263] : memref<128xi32, #tpu.memory_space<vmem>> -> memref<16xi32, #tpu.memory_space<vmem>>
    %dma_start3A_265 = arith.constant 0 : i32
    %dma_start3A_266 = arith.constant 0 : i32
    %dma_start3A_267 = tpu.memref_slice %arg3[%dma_start3A_265, %dma_start3A_266] : memref<503808x128xf32, #tpu.memory_space<hbm>> -> memref<503808x128xf32, #tpu.memory_space<hbm>>
    tpu.enqueue_indirect_dma source(%dma_start3A_267 : memref<503808x128xf32, #tpu.memory_space<hbm>>) target(%dma_start3A_262 : memref<16x128xf32, #tpu.memory_space<vmem>>) offsets(%dma_start3A_264 : memref<16xi32, #tpu.memory_space<vmem>>) semaphore(%arg14 : memref<!tpu.dma_semaphore, #tpu.memory_space<semaphore_mem>>)
    %dma_start3A_268 = arith.constant 64 : i32
    %dma_start3A_269 = arith.constant 0 : i32
    %dma_start3A_270 = tpu.memref_slice %arg10[%dma_start3A_268, %dma_start3A_269] : memref<128x128xf32, #tpu.memory_space<vmem>> -> memref<16x128xf32, #tpu.memory_space<vmem>>
    %dma_start3A_271 = arith.constant 64 : i32
    %dma_start3A_272 = tpu.memref_slice %arg6[%dma_start3A_271] : memref<128xi32, #tpu.memory_space<vmem>> -> memref<16xi32, #tpu.memory_space<vmem>>
    %dma_start3A_273 = arith.constant 0 : i32
    %dma_start3A_274 = arith.constant 0 : i32
    %dma_start3A_275 = tpu.memref_slice %arg3[%dma_start3A_273, %dma_start3A_274] : memref<503808x128xf32, #tpu.memory_space<hbm>> -> memref<503808x128xf32, #tpu.memory_space<hbm>>
    tpu.enqueue_indirect_dma source(%dma_start3A_275 : memref<503808x128xf32, #tpu.memory_space<hbm>>) target(%dma_start3A_270 : memref<16x128xf32, #tpu.memory_space<vmem>>) offsets(%dma_start3A_272 : memref<16xi32, #tpu.memory_space<vmem>>) semaphore(%arg14 : memref<!tpu.dma_semaphore, #tpu.memory_space<semaphore_mem>>)
    %dma_start3A_276 = arith.constant 80 : i32
    %dma_start3A_277 = arith.constant 0 : i32
    %dma_start3A_278 = tpu.memref_slice %arg10[%dma_start3A_276, %dma_start3A_277] : memref<128x128xf32, #tpu.memory_space<vmem>> -> memref<16x128xf32, #tpu.memory_space<vmem>>
    %dma_start3A_279 = arith.constant 80 : i32
    %dma_start3A_280 = tpu.memref_slice %arg6[%dma_start3A_279] : memref<128xi32, #tpu.memory_space<vmem>> -> memref<16xi32, #tpu.memory_space<vmem>>
    %dma_start3A_281 = arith.constant 0 : i32
    %dma_start3A_282 = arith.constant 0 : i32
    %dma_start3A_283 = tpu.memref_slice %arg3[%dma_start3A_281, %dma_start3A_282] : memref<503808x128xf32, #tpu.memory_space<hbm>> -> memref<503808x128xf32, #tpu.memory_space<hbm>>
    tpu.enqueue_indirect_dma source(%dma_start3A_283 : memref<503808x128xf32, #tpu.memory_space<hbm>>) target(%dma_start3A_278 : memref<16x128xf32, #tpu.memory_space<vmem>>) offsets(%dma_start3A_280 : memref<16xi32, #tpu.memory_space<vmem>>) semaphore(%arg14 : memref<!tpu.dma_semaphore, #tpu.memory_space<semaphore_mem>>)
    %dma_start3A_284 = arith.constant 96 : i32
    %dma_start3A_285 = arith.constant 0 : i32
    %dma_start3A_286 = tpu.memref_slice %arg10[%dma_start3A_284, %dma_start3A_285] : memref<128x128xf32, #tpu.memory_space<vmem>> -> memref<16x128xf32, #tpu.memory_space<vmem>>
    %dma_start3A_287 = arith.constant 96 : i32
    %dma_start3A_288 = tpu.memref_slice %arg6[%dma_start3A_287] : memref<128xi32, #tpu.memory_space<vmem>> -> memref<16xi32, #tpu.memory_space<vmem>>
    %dma_start3A_289 = arith.constant 0 : i32
    %dma_start3A_290 = arith.constant 0 : i32
    %dma_start3A_291 = tpu.memref_slice %arg3[%dma_start3A_289, %dma_start3A_290] : memref<503808x128xf32, #tpu.memory_space<hbm>> -> memref<503808x128xf32, #tpu.memory_space<hbm>>
    tpu.enqueue_indirect_dma source(%dma_start3A_291 : memref<503808x128xf32, #tpu.memory_space<hbm>>) target(%dma_start3A_286 : memref<16x128xf32, #tpu.memory_space<vmem>>) offsets(%dma_start3A_288 : memref<16xi32, #tpu.memory_space<vmem>>) semaphore(%arg14 : memref<!tpu.dma_semaphore, #tpu.memory_space<semaphore_mem>>)
    %dma_start3A_292 = arith.constant 112 : i32
    %dma_start3A_293 = arith.constant 0 : i32
    %dma_start3A_294 = tpu.memref_slice %arg10[%dma_start3A_292, %dma_start3A_293] : memref<128x128xf32, #tpu.memory_space<vmem>> -> memref<16x128xf32, #tpu.memory_space<vmem>>
    %dma_start3A_295 = arith.constant 112 : i32
    %dma_start3A_296 = tpu.memref_slice %arg6[%dma_start3A_295] : memref<128xi32, #tpu.memory_space<vmem>> -> memref<16xi32, #tpu.memory_space<vmem>>
    %dma_start3A_297 = arith.constant 0 : i32
    %dma_start3A_298 = arith.constant 0 : i32
    %dma_start3A_299 = tpu.memref_slice %arg3[%dma_start3A_297, %dma_start3A_298] : memref<503808x128xf32, #tpu.memory_space<hbm>> -> memref<503808x128xf32, #tpu.memory_space<hbm>>
    tpu.enqueue_indirect_dma source(%dma_start3A_299 : memref<503808x128xf32, #tpu.memory_space<hbm>>) target(%dma_start3A_294 : memref<16x128xf32, #tpu.memory_space<vmem>>) offsets(%dma_start3A_296 : memref<16xi32, #tpu.memory_space<vmem>>) semaphore(%arg14 : memref<!tpu.dma_semaphore, #tpu.memory_space<semaphore_mem>>)
    %scan3A = arith.constant 0 : i32
    %scan3A_300 = arith.constant 0 : i32
    %scan3A_301 = arith.constant 100 : i32
    %scan3A_302 = arith.addi %scan3A_300, %scan3A_301 : i32
    %scan3A_303 = arith.constant 1 : i32
    scf.for %scan3A_318 = %scan3A_300 to %scan3A_302 step %scan3A_303  : i32 {
      %mul3A_319 = arith.constant 2 : i32
      %mul3A_320 = arith.muli %mul3A_319, %scan3A_318 : i32
      %add3A_321 = arith.constant 0 : i32
      %add3A_322 = arith.addi %mul3A_320, %add3A_321 : i32
      %add3A_323 = arith.constant 1 : i32
      %add3A_324 = arith.addi %add3A_322, %add3A_323 : i32
      %lt3A = arith.constant 200 : i32
      %lt3A_325 = arith.cmpi slt, %add3A_324, %lt3A : i32
      %convert_element_type3A = arith.extui %lt3A_325 : i1 to i32
      %cond3A = arith.constant 0 : i32
      %cond3A_326 = arith.cmpi ne, %convert_element_type3A, %cond3A : i32
      scf.if %cond3A_326 {
        %add3A_531 = arith.constant 1 : i32
        %add3A_532 = arith.addi %add3A_322, %add3A_531 : i32
        %get3A_533 = arith.index_cast %add3A_532 : i32 to index
        %get3A_534 = arith.constant 0 : index
        %get3A_535 = tpu.vector_load %arg5[%get3A_533, %get3A_534] {strides = array<i32>} : memref<200x128xi32, #tpu.memory_space<vmem>>, vector<16xi32>,
        %shift_right_logical3A_536 = arith.constant 1 : i32
        %shift_right_logical3A_537 = vector.broadcast %shift_right_logical3A_536 : i32 to vector<16xi32>
        %shift_right_logical3A_538 = arith.shrui %get3A_535, %shift_right_logical3A_537 : vector<16xi32>
        %and3A_539 = arith.constant -4096 : i32
        %and3A_540 = vector.broadcast %and3A_539 : i32 to vector<16xi32>
        %and3A_541 = arith.andi %shift_right_logical3A_538, %and3A_540 : vector<16xi32>
        %and3A_542 = arith.constant 4095 : i32
        %and3A_543 = vector.broadcast %and3A_542 : i32 to vector<16xi32>
        %and3A_544 = arith.andi %get3A_535, %and3A_543 : vector<16xi32>
        %or3A_545 = arith.ori %and3A_541, %and3A_544 : vector<16xi32>
        %swap3A_546 = arith.constant 0 : index
        %swap3A_547 = tpu.vector_load %arg7[%swap3A_546] {strides = array<i32>} : memref<128xi32, #tpu.memory_space<vmem>>, vector<16xi32>,
        tpu.vector_store %arg7[%swap3A_546], %or3A_545 {strides = array<i32>} : memref<128xi32, #tpu.memory_space<vmem>>, vector<16xi32>,
        %and3A_548 = arith.constant 4096 : i32
        %and3A_549 = vector.broadcast %and3A_548 : i32 to vector<16xi32>
        %and3A_550 = arith.andi %get3A_535, %and3A_549 : vector<16xi32>
        %shift_right_logical3A_551 = arith.constant 6 : i32
        %shift_right_logical3A_552 = vector.broadcast %shift_right_logical3A_551 : i32 to vector<16xi32>
        %shift_right_logical3A_553 = arith.shrui %and3A_550, %shift_right_logical3A_552 : vector<16xi32>
        %swap3A_554 = arith.constant 0 : index
        %swap3A_555 = tpu.vector_load %arg9[%swap3A_554] {strides = array<i32>} : memref<128xi32, #tpu.memory_space<vmem>>, vector<16xi32>,
        tpu.vector_store %arg9[%swap3A_554], %shift_right_logical3A_553 {strides = array<i32>} : memref<128xi32, #tpu.memory_space<vmem>>, vector<16xi32>,
        %get3A_556 = arith.index_cast %add3A_532 : i32 to index
        %get3A_557 = arith.constant 16 : index
        %get3A_558 = tpu.vector_load %arg5[%get3A_556, %get3A_557] {strides = array<i32>} : memref<200x128xi32, #tpu.memory_space<vmem>>, vector<16xi32>,
        %shift_right_logical3A_559 = arith.constant 1 : i32
        %shift_right_logical3A_560 = vector.broadcast %shift_right_logical3A_559 : i32 to vector<16xi32>
        %shift_right_logical3A_561 = arith.shrui %get3A_558, %shift_right_logical3A_560 : vector<16xi32>
        %and3A_562 = arith.constant -4096 : i32
        %and3A_563 = vector.broadcast %and3A_562 : i32 to vector<16xi32>
        %and3A_564 = arith.andi %shift_right_logical3A_561, %and3A_563 : vector<16xi32>
        %and3A_565 = arith.constant 4095 : i32
        %and3A_566 = vector.broadcast %and3A_565 : i32 to vector<16xi32>
        %and3A_567 = arith.andi %get3A_558, %and3A_566 : vector<16xi32>
        %or3A_568 = arith.ori %and3A_564, %and3A_567 : vector<16xi32>
        %swap3A_569 = arith.constant 16 : index
        %swap3A_570 = tpu.vector_load %arg7[%swap3A_569] {strides = array<i32>} : memref<128xi32, #tpu.memory_space<vmem>>, vector<16xi32>,
        tpu.vector_store %arg7[%swap3A_569], %or3A_568 {strides = array<i32>} : memref<128xi32, #tpu.memory_space<vmem>>, vector<16xi32>,
        %and3A_571 = arith.constant 4096 : i32
        %and3A_572 = vector.broadcast %and3A_571 : i32 to vector<16xi32>
        %and3A_573 = arith.andi %get3A_558, %and3A_572 : vector<16xi32>
        %shift_right_logical3A_574 = arith.constant 6 : i32
        %shift_right_logical3A_575 = vector.broadcast %shift_right_logical3A_574 : i32 to vector<16xi32>
        %shift_right_logical3A_576 = arith.shrui %and3A_573, %shift_right_logical3A_575 : vector<16xi32>
        %swap3A_577 = arith.constant 16 : index
        %swap3A_578 = tpu.vector_load %arg9[%swap3A_577] {strides = array<i32>} : memref<128xi32, #tpu.memory_space<vmem>>, vector<16xi32>,
        tpu.vector_store %arg9[%swap3A_577], %shift_right_logical3A_576 {strides = array<i32>} : memref<128xi32, #tpu.memory_space<vmem>>, vector<16xi32>,
        %get3A_579 = arith.index_cast %add3A_532 : i32 to index
        %get3A_580 = arith.constant 32 : index
        %get3A_581 = tpu.vector_load %arg5[%get3A_579, %get3A_580] {strides = array<i32>} : memref<200x128xi32, #tpu.memory_space<vmem>>, vector<16xi32>,
        %shift_right_logical3A_582 = arith.constant 1 : i32
        %shift_right_logical3A_583 = vector.broadcast %shift_right_logical3A_582 : i32 to vector<16xi32>
        %shift_right_logical3A_584 = arith.shrui %get3A_581, %shift_right_logical3A_583 : vector<16xi32>
        %and3A_585 = arith.constant -4096 : i32
        %and3A_586 = vector.broadcast %and3A_585 : i32 to vector<16xi32>
        %and3A_587 = arith.andi %shift_right_logical3A_584, %and3A_586 : vector<16xi32>
        %and3A_588 = arith.constant 4095 : i32
        %and3A_589 = vector.broadcast %and3A_588 : i32 to vector<16xi32>
        %and3A_590 = arith.andi %get3A_581, %and3A_589 : vector<16xi32>
        %or3A_591 = arith.ori %and3A_587, %and3A_590 : vector<16xi32>
        %swap3A_592 = arith.constant 32 : index
        %swap3A_593 = tpu.vector_load %arg7[%swap3A_592] {strides = array<i32>} : memref<128xi32, #tpu.memory_space<vmem>>, vector<16xi32>,
        tpu.vector_store %arg7[%swap3A_592], %or3A_591 {strides = array<i32>} : memref<128xi32, #tpu.memory_space<vmem>>, vector<16xi32>,
        %and3A_594 = arith.constant 4096 : i32
        %and3A_595 = vector.broadcast %and3A_594 : i32 to vector<16xi32>
        %and3A_596 = arith.andi %get3A_581, %and3A_595 : vector<16xi32>
        %shift_right_logical3A_597 = arith.constant 6 : i32
        %shift_right_logical3A_598 = vector.broadcast %shift_right_logical3A_597 : i32 to vector<16xi32>
        %shift_right_logical3A_599 = arith.shrui %and3A_596, %shift_right_logical3A_598 : vector<16xi32>
        %swap3A_600 = arith.constant 32 : index
        %swap3A_601 = tpu.vector_load %arg9[%swap3A_600] {strides = array<i32>} : memref<128xi32, #tpu.memory_space<vmem>>, vector<16xi32>,
        tpu.vector_store %arg9[%swap3A_600], %shift_right_logical3A_599 {strides = array<i32>} : memref<128xi32, #tpu.memory_space<vmem>>, vector<16xi32>,
        %get3A_602 = arith.index_cast %add3A_532 : i32 to index
        %get3A_603 = arith.constant 48 : index
        %get3A_604 = tpu.vector_load %arg5[%get3A_602, %get3A_603] {strides = array<i32>} : memref<200x128xi32, #tpu.memory_space<vmem>>, vector<16xi32>,
        %shift_right_logical3A_605 = arith.constant 1 : i32
        %shift_right_logical3A_606 = vector.broadcast %shift_right_logical3A_605 : i32 to vector<16xi32>
        %shift_right_logical3A_607 = arith.shrui %get3A_604, %shift_right_logical3A_606 : vector<16xi32>
        %and3A_608 = arith.constant -4096 : i32
        %and3A_609 = vector.broadcast %and3A_608 : i32 to vector<16xi32>
        %and3A_610 = arith.andi %shift_right_logical3A_607, %and3A_609 : vector<16xi32>
        %and3A_611 = arith.constant 4095 : i32
        %and3A_612 = vector.broadcast %and3A_611 : i32 to vector<16xi32>
        %and3A_613 = arith.andi %get3A_604, %and3A_612 : vector<16xi32>
        %or3A_614 = arith.ori %and3A_610, %and3A_613 : vector<16xi32>
        %swap3A_615 = arith.constant 48 : index
        %swap3A_616 = tpu.vector_load %arg7[%swap3A_615] {strides = array<i32>} : memref<128xi32, #tpu.memory_space<vmem>>, vector<16xi32>,
        tpu.vector_store %arg7[%swap3A_615], %or3A_614 {strides = array<i32>} : memref<128xi32, #tpu.memory_space<vmem>>, vector<16xi32>,
        %and3A_617 = arith.constant 4096 : i32
        %and3A_618 = vector.broadcast %and3A_617 : i32 to vector<16xi32>
        %and3A_619 = arith.andi %get3A_604, %and3A_618 : vector<16xi32>
        %shift_right_logical3A_620 = arith.constant 6 : i32
        %shift_right_logical3A_621 = vector.broadcast %shift_right_logical3A_620 : i32 to vector<16xi32>
        %shift_right_logical3A_622 = arith.shrui %and3A_619, %shift_right_logical3A_621 : vector<16xi32>
        %swap3A_623 = arith.constant 48 : index
        %swap3A_624 = tpu.vector_load %arg9[%swap3A_623] {strides = array<i32>} : memref<128xi32, #tpu.memory_space<vmem>>, vector<16xi32>,
        tpu.vector_store %arg9[%swap3A_623], %shift_right_logical3A_622 {strides = array<i32>} : memref<128xi32, #tpu.memory_space<vmem>>, vector<16xi32>,
        %get3A_625 = arith.index_cast %add3A_532 : i32 to index
        %get3A_626 = arith.constant 64 : index
        %get3A_627 = tpu.vector_load %arg5[%get3A_625, %get3A_626] {strides = array<i32>} : memref<200x128xi32, #tpu.memory_space<vmem>>, vector<16xi32>,
        %shift_right_logical3A_628 = arith.constant 1 : i32
        %shift_right_logical3A_629 = vector.broadcast %shift_right_logical3A_628 : i32 to vector<16xi32>
        %shift_right_logical3A_630 = arith.shrui %get3A_627, %shift_right_logical3A_629 : vector<16xi32>
        %and3A_631 = arith.constant -4096 : i32
        %and3A_632 = vector.broadcast %and3A_631 : i32 to vector<16xi32>
        %and3A_633 = arith.andi %shift_right_logical3A_630, %and3A_632 : vector<16xi32>
        %and3A_634 = arith.constant 4095 : i32
        %and3A_635 = vector.broadcast %and3A_634 : i32 to vector<16xi32>
        %and3A_636 = arith.andi %get3A_627, %and3A_635 : vector<16xi32>
        %or3A_637 = arith.ori %and3A_633, %and3A_636 : vector<16xi32>
        %swap3A_638 = arith.constant 64 : index
        %swap3A_639 = tpu.vector_load %arg7[%swap3A_638] {strides = array<i32>} : memref<128xi32, #tpu.memory_space<vmem>>, vector<16xi32>,
        tpu.vector_store %arg7[%swap3A_638], %or3A_637 {strides = array<i32>} : memref<128xi32, #tpu.memory_space<vmem>>, vector<16xi32>,
        %and3A_640 = arith.constant 4096 : i32
        %and3A_641 = vector.broadcast %and3A_640 : i32 to vector<16xi32>
        %and3A_642 = arith.andi %get3A_627, %and3A_641 : vector<16xi32>
        %shift_right_logical3A_643 = arith.constant 6 : i32
        %shift_right_logical3A_644 = vector.broadcast %shift_right_logical3A_643 : i32 to vector<16xi32>
        %shift_right_logical3A_645 = arith.shrui %and3A_642, %shift_right_logical3A_644 : vector<16xi32>
        %swap3A_646 = arith.constant 64 : index
        %swap3A_647 = tpu.vector_load %arg9[%swap3A_646] {strides = array<i32>} : memref<128xi32, #tpu.memory_space<vmem>>, vector<16xi32>,
        tpu.vector_store %arg9[%swap3A_646], %shift_right_logical3A_645 {strides = array<i32>} : memref<128xi32, #tpu.memory_space<vmem>>, vector<16xi32>,
        %get3A_648 = arith.index_cast %add3A_532 : i32 to index
        %get3A_649 = arith.constant 80 : index
        %get3A_650 = tpu.vector_load %arg5[%get3A_648, %get3A_649] {strides = array<i32>} : memref<200x128xi32, #tpu.memory_space<vmem>>, vector<16xi32>,
        %shift_right_logical3A_651 = arith.constant 1 : i32
        %shift_right_logical3A_652 = vector.broadcast %shift_right_logical3A_651 : i32 to vector<16xi32>
        %shift_right_logical3A_653 = arith.shrui %get3A_650, %shift_right_logical3A_652 : vector<16xi32>
        %and3A_654 = arith.constant -4096 : i32
        %and3A_655 = vector.broadcast %and3A_654 : i32 to vector<16xi32>
        %and3A_656 = arith.andi %shift_right_logical3A_653, %and3A_655 : vector<16xi32>
        %and3A_657 = arith.constant 4095 : i32
        %and3A_658 = vector.broadcast %and3A_657 : i32 to vector<16xi32>
        %and3A_659 = arith.andi %get3A_650, %and3A_658 : vector<16xi32>
        %or3A_660 = arith.ori %and3A_656, %and3A_659 : vector<16xi32>
        %swap3A_661 = arith.constant 80 : index
        %swap3A_662 = tpu.vector_load %arg7[%swap3A_661] {strides = array<i32>} : memref<128xi32, #tpu.memory_space<vmem>>, vector<16xi32>,
        tpu.vector_store %arg7[%swap3A_661], %or3A_660 {strides = array<i32>} : memref<128xi32, #tpu.memory_space<vmem>>, vector<16xi32>,
        %and3A_663 = arith.constant 4096 : i32
        %and3A_664 = vector.broadcast %and3A_663 : i32 to vector<16xi32>
        %and3A_665 = arith.andi %get3A_650, %and3A_664 : vector<16xi32>
        %shift_right_logical3A_666 = arith.constant 6 : i32
        %shift_right_logical3A_667 = vector.broadcast %shift_right_logical3A_666 : i32 to vector<16xi32>
        %shift_right_logical3A_668 = arith.shrui %and3A_665, %shift_right_logical3A_667 : vector<16xi32>
        %swap3A_669 = arith.constant 80 : index
        %swap3A_670 = tpu.vector_load %arg9[%swap3A_669] {strides = array<i32>} : memref<128xi32, #tpu.memory_space<vmem>>, vector<16xi32>,
        tpu.vector_store %arg9[%swap3A_669], %shift_right_logical3A_668 {strides = array<i32>} : memref<128xi32, #tpu.memory_space<vmem>>, vector<16xi32>,
        %get3A_671 = arith.index_cast %add3A_532 : i32 to index
        %get3A_672 = arith.constant 96 : index
        %get3A_673 = tpu.vector_load %arg5[%get3A_671, %get3A_672] {strides = array<i32>} : memref<200x128xi32, #tpu.memory_space<vmem>>, vector<16xi32>,
        %shift_right_logical3A_674 = arith.constant 1 : i32
        %shift_right_logical3A_675 = vector.broadcast %shift_right_logical3A_674 : i32 to vector<16xi32>
        %shift_right_logical3A_676 = arith.shrui %get3A_673, %shift_right_logical3A_675 : vector<16xi32>
        %and3A_677 = arith.constant -4096 : i32
        %and3A_678 = vector.broadcast %and3A_677 : i32 to vector<16xi32>
        %and3A_679 = arith.andi %shift_right_logical3A_676, %and3A_678 : vector<16xi32>
        %and3A_680 = arith.constant 4095 : i32
        %and3A_681 = vector.broadcast %and3A_680 : i32 to vector<16xi32>
        %and3A_682 = arith.andi %get3A_673, %and3A_681 : vector<16xi32>
        %or3A_683 = arith.ori %and3A_679, %and3A_682 : vector<16xi32>
        %swap3A_684 = arith.constant 96 : index
        %swap3A_685 = tpu.vector_load %arg7[%swap3A_684] {strides = array<i32>} : memref<128xi32, #tpu.memory_space<vmem>>, vector<16xi32>,
        tpu.vector_store %arg7[%swap3A_684], %or3A_683 {strides = array<i32>} : memref<128xi32, #tpu.memory_space<vmem>>, vector<16xi32>,
        %and3A_686 = arith.constant 4096 : i32
        %and3A_687 = vector.broadcast %and3A_686 : i32 to vector<16xi32>
        %and3A_688 = arith.andi %get3A_673, %and3A_687 : vector<16xi32>
        %shift_right_logical3A_689 = arith.constant 6 : i32
        %shift_right_logical3A_690 = vector.broadcast %shift_right_logical3A_689 : i32 to vector<16xi32>
        %shift_right_logical3A_691 = arith.shrui %and3A_688, %shift_right_logical3A_690 : vector<16xi32>
        %swap3A_692 = arith.constant 96 : index
        %swap3A_693 = tpu.vector_load %arg9[%swap3A_692] {strides = array<i32>} : memref<128xi32, #tpu.memory_space<vmem>>, vector<16xi32>,
        tpu.vector_store %arg9[%swap3A_692], %shift_right_logical3A_691 {strides = array<i32>} : memref<128xi32, #tpu.memory_space<vmem>>, vector<16xi32>,
        %get3A_694 = arith.index_cast %add3A_532 : i32 to index
        %get3A_695 = arith.constant 112 : index
        %get3A_696 = tpu.vector_load %arg5[%get3A_694, %get3A_695] {strides = array<i32>} : memref<200x128xi32, #tpu.memory_space<vmem>>, vector<16xi32>,
        %shift_right_logical3A_697 = arith.constant 1 : i32
        %shift_right_logical3A_698 = vector.broadcast %shift_right_logical3A_697 : i32 to vector<16xi32>
        %shift_right_logical3A_699 = arith.shrui %get3A_696, %shift_right_logical3A_698 : vector<16xi32>
        %and3A_700 = arith.constant -4096 : i32
        %and3A_701 = vector.broadcast %and3A_700 : i32 to vector<16xi32>
        %and3A_702 = arith.andi %shift_right_logical3A_699, %and3A_701 : vector<16xi32>
        %and3A_703 = arith.constant 4095 : i32
        %and3A_704 = vector.broadcast %and3A_703 : i32 to vector<16xi32>
        %and3A_705 = arith.andi %get3A_696, %and3A_704 : vector<16xi32>
        %or3A_706 = arith.ori %and3A_702, %and3A_705 : vector<16xi32>
        %swap3A_707 = arith.constant 112 : index
        %swap3A_708 = tpu.vector_load %arg7[%swap3A_707] {strides = array<i32>} : memref<128xi32, #tpu.memory_space<vmem>>, vector<16xi32>,
        tpu.vector_store %arg7[%swap3A_707], %or3A_706 {strides = array<i32>} : memref<128xi32, #tpu.memory_space<vmem>>, vector<16xi32>,
        %and3A_709 = arith.constant 4096 : i32
        %and3A_710 = vector.broadcast %and3A_709 : i32 to vector<16xi32>
        %and3A_711 = arith.andi %get3A_696, %and3A_710 : vector<16xi32>
        %shift_right_logical3A_712 = arith.constant 6 : i32
        %shift_right_logical3A_713 = vector.broadcast %shift_right_logical3A_712 : i32 to vector<16xi32>
        %shift_right_logical3A_714 = arith.shrui %and3A_711, %shift_right_logical3A_713 : vector<16xi32>
        %swap3A_715 = arith.constant 112 : index
        %swap3A_716 = tpu.vector_load %arg9[%swap3A_715] {strides = array<i32>} : memref<128xi32, #tpu.memory_space<vmem>>, vector<16xi32>,
        tpu.vector_store %arg9[%swap3A_715], %shift_right_logical3A_714 {strides = array<i32>} : memref<128xi32, #tpu.memory_space<vmem>>, vector<16xi32>,
        %dma_start3A_717 = arith.constant 0 : i32
        %dma_start3A_718 = arith.constant 0 : i32
        %dma_start3A_719 = tpu.memref_slice %arg11[%dma_start3A_717, %dma_start3A_718] : memref<128x128xf32, #tpu.memory_space<vmem>> -> memref<16x128xf32, #tpu.memory_space<vmem>>
        %dma_start3A_720 = arith.constant 0 : i32
        %dma_start3A_721 = tpu.memref_slice %arg7[%dma_start3A_720] : memref<128xi32, #tpu.memory_space<vmem>> -> memref<16xi32, #tpu.memory_space<vmem>>
        %dma_start3A_722 = arith.constant 0 : i32
        %dma_start3A_723 = arith.constant 0 : i32
        %dma_start3A_724 = tpu.memref_slice %arg3[%dma_start3A_722, %dma_start3A_723] : memref<503808x128xf32, #tpu.memory_space<hbm>> -> memref<503808x128xf32, #tpu.memory_space<hbm>>
        tpu.enqueue_indirect_dma source(%dma_start3A_724 : memref<503808x128xf32, #tpu.memory_space<hbm>>) target(%dma_start3A_719 : memref<16x128xf32, #tpu.memory_space<vmem>>) offsets(%dma_start3A_721 : memref<16xi32, #tpu.memory_space<vmem>>) semaphore(%arg15 : memref<!tpu.dma_semaphore, #tpu.memory_space<semaphore_mem>>)
        %dma_start3A_725 = arith.constant 16 : i32
        %dma_start3A_726 = arith.constant 0 : i32
        %dma_start3A_727 = tpu.memref_slice %arg11[%dma_start3A_725, %dma_start3A_726] : memref<128x128xf32, #tpu.memory_space<vmem>> -> memref<16x128xf32, #tpu.memory_space<vmem>>
        %dma_start3A_728 = arith.constant 16 : i32
        %dma_start3A_729 = tpu.memref_slice %arg7[%dma_start3A_728] : memref<128xi32, #tpu.memory_space<vmem>> -> memref<16xi32, #tpu.memory_space<vmem>>
        %dma_start3A_730 = arith.constant 0 : i32
        %dma_start3A_731 = arith.constant 0 : i32
        %dma_start3A_732 = tpu.memref_slice %arg3[%dma_start3A_730, %dma_start3A_731] : memref<503808x128xf32, #tpu.memory_space<hbm>> -> memref<503808x128xf32, #tpu.memory_space<hbm>>
        tpu.enqueue_indirect_dma source(%dma_start3A_732 : memref<503808x128xf32, #tpu.memory_space<hbm>>) target(%dma_start3A_727 : memref<16x128xf32, #tpu.memory_space<vmem>>) offsets(%dma_start3A_729 : memref<16xi32, #tpu.memory_space<vmem>>) semaphore(%arg15 : memref<!tpu.dma_semaphore, #tpu.memory_space<semaphore_mem>>)
        %dma_start3A_733 = arith.constant 32 : i32
        %dma_start3A_734 = arith.constant 0 : i32
        %dma_start3A_735 = tpu.memref_slice %arg11[%dma_start3A_733, %dma_start3A_734] : memref<128x128xf32, #tpu.memory_space<vmem>> -> memref<16x128xf32, #tpu.memory_space<vmem>>
        %dma_start3A_736 = arith.constant 32 : i32
        %dma_start3A_737 = tpu.memref_slice %arg7[%dma_start3A_736] : memref<128xi32, #tpu.memory_space<vmem>> -> memref<16xi32, #tpu.memory_space<vmem>>
        %dma_start3A_738 = arith.constant 0 : i32
        %dma_start3A_739 = arith.constant 0 : i32
        %dma_start3A_740 = tpu.memref_slice %arg3[%dma_start3A_738, %dma_start3A_739] : memref<503808x128xf32, #tpu.memory_space<hbm>> -> memref<503808x128xf32, #tpu.memory_space<hbm>>
        tpu.enqueue_indirect_dma source(%dma_start3A_740 : memref<503808x128xf32, #tpu.memory_space<hbm>>) target(%dma_start3A_735 : memref<16x128xf32, #tpu.memory_space<vmem>>) offsets(%dma_start3A_737 : memref<16xi32, #tpu.memory_space<vmem>>) semaphore(%arg15 : memref<!tpu.dma_semaphore, #tpu.memory_space<semaphore_mem>>)
        %dma_start3A_741 = arith.constant 48 : i32
        %dma_start3A_742 = arith.constant 0 : i32
        %dma_start3A_743 = tpu.memref_slice %arg11[%dma_start3A_741, %dma_start3A_742] : memref<128x128xf32, #tpu.memory_space<vmem>> -> memref<16x128xf32, #tpu.memory_space<vmem>>
        %dma_start3A_744 = arith.constant 48 : i32
        %dma_start3A_745 = tpu.memref_slice %arg7[%dma_start3A_744] : memref<128xi32, #tpu.memory_space<vmem>> -> memref<16xi32, #tpu.memory_space<vmem>>
        %dma_start3A_746 = arith.constant 0 : i32
        %dma_start3A_747 = arith.constant 0 : i32
        %dma_start3A_748 = tpu.memref_slice %arg3[%dma_start3A_746, %dma_start3A_747] : memref<503808x128xf32, #tpu.memory_space<hbm>> -> memref<503808x128xf32, #tpu.memory_space<hbm>>
        tpu.enqueue_indirect_dma source(%dma_start3A_748 : memref<503808x128xf32, #tpu.memory_space<hbm>>) target(%dma_start3A_743 : memref<16x128xf32, #tpu.memory_space<vmem>>) offsets(%dma_start3A_745 : memref<16xi32, #tpu.memory_space<vmem>>) semaphore(%arg15 : memref<!tpu.dma_semaphore, #tpu.memory_space<semaphore_mem>>)
        %dma_start3A_749 = arith.constant 64 : i32
        %dma_start3A_750 = arith.constant 0 : i32
        %dma_start3A_751 = tpu.memref_slice %arg11[%dma_start3A_749, %dma_start3A_750] : memref<128x128xf32, #tpu.memory_space<vmem>> -> memref<16x128xf32, #tpu.memory_space<vmem>>
        %dma_start3A_752 = arith.constant 64 : i32
        %dma_start3A_753 = tpu.memref_slice %arg7[%dma_start3A_752] : memref<128xi32, #tpu.memory_space<vmem>> -> memref<16xi32, #tpu.memory_space<vmem>>
        %dma_start3A_754 = arith.constant 0 : i32
        %dma_start3A_755 = arith.constant 0 : i32
        %dma_start3A_756 = tpu.memref_slice %arg3[%dma_start3A_754, %dma_start3A_755] : memref<503808x128xf32, #tpu.memory_space<hbm>> -> memref<503808x128xf32, #tpu.memory_space<hbm>>
        tpu.enqueue_indirect_dma source(%dma_start3A_756 : memref<503808x128xf32, #tpu.memory_space<hbm>>) target(%dma_start3A_751 : memref<16x128xf32, #tpu.memory_space<vmem>>) offsets(%dma_start3A_753 : memref<16xi32, #tpu.memory_space<vmem>>) semaphore(%arg15 : memref<!tpu.dma_semaphore, #tpu.memory_space<semaphore_mem>>)
        %dma_start3A_757 = arith.constant 80 : i32
        %dma_start3A_758 = arith.constant 0 : i32
        %dma_start3A_759 = tpu.memref_slice %arg11[%dma_start3A_757, %dma_start3A_758] : memref<128x128xf32, #tpu.memory_space<vmem>> -> memref<16x128xf32, #tpu.memory_space<vmem>>
        %dma_start3A_760 = arith.constant 80 : i32
        %dma_start3A_761 = tpu.memref_slice %arg7[%dma_start3A_760] : memref<128xi32, #tpu.memory_space<vmem>> -> memref<16xi32, #tpu.memory_space<vmem>>
        %dma_start3A_762 = arith.constant 0 : i32
        %dma_start3A_763 = arith.constant 0 : i32
        %dma_start3A_764 = tpu.memref_slice %arg3[%dma_start3A_762, %dma_start3A_763] : memref<503808x128xf32, #tpu.memory_space<hbm>> -> memref<503808x128xf32, #tpu.memory_space<hbm>>
        tpu.enqueue_indirect_dma source(%dma_start3A_764 : memref<503808x128xf32, #tpu.memory_space<hbm>>) target(%dma_start3A_759 : memref<16x128xf32, #tpu.memory_space<vmem>>) offsets(%dma_start3A_761 : memref<16xi32, #tpu.memory_space<vmem>>) semaphore(%arg15 : memref<!tpu.dma_semaphore, #tpu.memory_space<semaphore_mem>>)
        %dma_start3A_765 = arith.constant 96 : i32
        %dma_start3A_766 = arith.constant 0 : i32
        %dma_start3A_767 = tpu.memref_slice %arg11[%dma_start3A_765, %dma_start3A_766] : memref<128x128xf32, #tpu.memory_space<vmem>> -> memref<16x128xf32, #tpu.memory_space<vmem>>
        %dma_start3A_768 = arith.constant 96 : i32
        %dma_start3A_769 = tpu.memref_slice %arg7[%dma_start3A_768] : memref<128xi32, #tpu.memory_space<vmem>> -> memref<16xi32, #tpu.memory_space<vmem>>
        %dma_start3A_770 = arith.constant 0 : i32
        %dma_start3A_771 = arith.constant 0 : i32
        %dma_start3A_772 = tpu.memref_slice %arg3[%dma_start3A_770, %dma_start3A_771] : memref<503808x128xf32, #tpu.memory_space<hbm>> -> memref<503808x128xf32, #tpu.memory_space<hbm>>
        tpu.enqueue_indirect_dma source(%dma_start3A_772 : memref<503808x128xf32, #tpu.memory_space<hbm>>) target(%dma_start3A_767 : memref<16x128xf32, #tpu.memory_space<vmem>>) offsets(%dma_start3A_769 : memref<16xi32, #tpu.memory_space<vmem>>) semaphore(%arg15 : memref<!tpu.dma_semaphore, #tpu.memory_space<semaphore_mem>>)
        %dma_start3A_773 = arith.constant 112 : i32
        %dma_start3A_774 = arith.constant 0 : i32
        %dma_start3A_775 = tpu.memref_slice %arg11[%dma_start3A_773, %dma_start3A_774] : memref<128x128xf32, #tpu.memory_space<vmem>> -> memref<16x128xf32, #tpu.memory_space<vmem>>
        %dma_start3A_776 = arith.constant 112 : i32
        %dma_start3A_777 = tpu.memref_slice %arg7[%dma_start3A_776] : memref<128xi32, #tpu.memory_space<vmem>> -> memref<16xi32, #tpu.memory_space<vmem>>
        %dma_start3A_778 = arith.constant 0 : i32
        %dma_start3A_779 = arith.constant 0 : i32
        %dma_start3A_780 = tpu.memref_slice %arg3[%dma_start3A_778, %dma_start3A_779] : memref<503808x128xf32, #tpu.memory_space<hbm>> -> memref<503808x128xf32, #tpu.memory_space<hbm>>
        tpu.enqueue_indirect_dma source(%dma_start3A_780 : memref<503808x128xf32, #tpu.memory_space<hbm>>) target(%dma_start3A_775 : memref<16x128xf32, #tpu.memory_space<vmem>>) offsets(%dma_start3A_777 : memref<16xi32, #tpu.memory_space<vmem>>) semaphore(%arg15 : memref<!tpu.dma_semaphore, #tpu.memory_space<semaphore_mem>>)
      } else {
      }
      %dma_wait3A_327 = arith.constant 0 : i32
      %dma_wait3A_328 = arith.constant 0 : i32
      %dma_wait3A_329 = tpu.memref_slice %arg10[%dma_wait3A_327, %dma_wait3A_328] : memref<128x128xf32, #tpu.memory_space<vmem>> -> memref<16x128xf32, #tpu.memory_space<vmem>>
      %dma_wait3A_330 = arith.constant 0 : i32
      %dma_wait3A_331 = tpu.memref_slice %arg6[%dma_wait3A_330] : memref<128xi32, #tpu.memory_space<vmem>> -> memref<16xi32, #tpu.memory_space<vmem>>
      %dma_wait3A_332 = arith.constant 0 : i32
      %dma_wait3A_333 = arith.constant 0 : i32
      %dma_wait3A_334 = tpu.memref_slice %arg3[%dma_wait3A_332, %dma_wait3A_333] : memref<503808x128xf32, #tpu.memory_space<hbm>> -> memref<503808x128xf32, #tpu.memory_space<hbm>>
      tpu.wait_indirect_dma semaphore(%arg14 : memref<!tpu.dma_semaphore, #tpu.memory_space<semaphore_mem>>) src(%dma_wait3A_334 : memref<503808x128xf32, #tpu.memory_space<hbm>>) dst(%dma_wait3A_329 : memref<16x128xf32, #tpu.memory_space<vmem>>)
      %dma_wait3A_335 = arith.constant 16 : i32
      %dma_wait3A_336 = arith.constant 0 : i32
      %dma_wait3A_337 = tpu.memref_slice %arg10[%dma_wait3A_335, %dma_wait3A_336] : memref<128x128xf32, #tpu.memory_space<vmem>> -> memref<16x128xf32, #tpu.memory_space<vmem>>
      %dma_wait3A_338 = arith.constant 16 : i32
      %dma_wait3A_339 = tpu.memref_slice %arg6[%dma_wait3A_338] : memref<128xi32, #tpu.memory_space<vmem>> -> memref<16xi32, #tpu.memory_space<vmem>>
      %dma_wait3A_340 = arith.constant 0 : i32
      %dma_wait3A_341 = arith.constant 0 : i32
      %dma_wait3A_342 = tpu.memref_slice %arg3[%dma_wait3A_340, %dma_wait3A_341] : memref<503808x128xf32, #tpu.memory_space<hbm>> -> memref<503808x128xf32, #tpu.memory_space<hbm>>
      tpu.wait_indirect_dma semaphore(%arg14 : memref<!tpu.dma_semaphore, #tpu.memory_space<semaphore_mem>>) src(%dma_wait3A_342 : memref<503808x128xf32, #tpu.memory_space<hbm>>) dst(%dma_wait3A_337 : memref<16x128xf32, #tpu.memory_space<vmem>>)
      %dma_wait3A_343 = arith.constant 32 : i32
      %dma_wait3A_344 = arith.constant 0 : i32
      %dma_wait3A_345 = tpu.memref_slice %arg10[%dma_wait3A_343, %dma_wait3A_344] : memref<128x128xf32, #tpu.memory_space<vmem>> -> memref<16x128xf32, #tpu.memory_space<vmem>>
      %dma_wait3A_346 = arith.constant 32 : i32
      %dma_wait3A_347 = tpu.memref_slice %arg6[%dma_wait3A_346] : memref<128xi32, #tpu.memory_space<vmem>> -> memref<16xi32, #tpu.memory_space<vmem>>
      %dma_wait3A_348 = arith.constant 0 : i32
      %dma_wait3A_349 = arith.constant 0 : i32
      %dma_wait3A_350 = tpu.memref_slice %arg3[%dma_wait3A_348, %dma_wait3A_349] : memref<503808x128xf32, #tpu.memory_space<hbm>> -> memref<503808x128xf32, #tpu.memory_space<hbm>>
      tpu.wait_indirect_dma semaphore(%arg14 : memref<!tpu.dma_semaphore, #tpu.memory_space<semaphore_mem>>) src(%dma_wait3A_350 : memref<503808x128xf32, #tpu.memory_space<hbm>>) dst(%dma_wait3A_345 : memref<16x128xf32, #tpu.memory_space<vmem>>)
      %dma_wait3A_351 = arith.constant 48 : i32
      %dma_wait3A_352 = arith.constant 0 : i32
      %dma_wait3A_353 = tpu.memref_slice %arg10[%dma_wait3A_351, %dma_wait3A_352] : memref<128x128xf32, #tpu.memory_space<vmem>> -> memref<16x128xf32, #tpu.memory_space<vmem>>
      %dma_wait3A_354 = arith.constant 48 : i32
      %dma_wait3A_355 = tpu.memref_slice %arg6[%dma_wait3A_354] : memref<128xi32, #tpu.memory_space<vmem>> -> memref<16xi32, #tpu.memory_space<vmem>>
      %dma_wait3A_356 = arith.constant 0 : i32
      %dma_wait3A_357 = arith.constant 0 : i32
      %dma_wait3A_358 = tpu.memref_slice %arg3[%dma_wait3A_356, %dma_wait3A_357] : memref<503808x128xf32, #tpu.memory_space<hbm>> -> memref<503808x128xf32, #tpu.memory_space<hbm>>
      tpu.wait_indirect_dma semaphore(%arg14 : memref<!tpu.dma_semaphore, #tpu.memory_space<semaphore_mem>>) src(%dma_wait3A_358 : memref<503808x128xf32, #tpu.memory_space<hbm>>) dst(%dma_wait3A_353 : memref<16x128xf32, #tpu.memory_space<vmem>>)
      %dma_wait3A_359 = arith.constant 64 : i32
      %dma_wait3A_360 = arith.constant 0 : i32
      %dma_wait3A_361 = tpu.memref_slice %arg10[%dma_wait3A_359, %dma_wait3A_360] : memref<128x128xf32, #tpu.memory_space<vmem>> -> memref<16x128xf32, #tpu.memory_space<vmem>>
      %dma_wait3A_362 = arith.constant 64 : i32
      %dma_wait3A_363 = tpu.memref_slice %arg6[%dma_wait3A_362] : memref<128xi32, #tpu.memory_space<vmem>> -> memref<16xi32, #tpu.memory_space<vmem>>
      %dma_wait3A_364 = arith.constant 0 : i32
      %dma_wait3A_365 = arith.constant 0 : i32
      %dma_wait3A_366 = tpu.memref_slice %arg3[%dma_wait3A_364, %dma_wait3A_365] : memref<503808x128xf32, #tpu.memory_space<hbm>> -> memref<503808x128xf32, #tpu.memory_space<hbm>>
      tpu.wait_indirect_dma semaphore(%arg14 : memref<!tpu.dma_semaphore, #tpu.memory_space<semaphore_mem>>) src(%dma_wait3A_366 : memref<503808x128xf32, #tpu.memory_space<hbm>>) dst(%dma_wait3A_361 : memref<16x128xf32, #tpu.memory_space<vmem>>)
      %dma_wait3A_367 = arith.constant 80 : i32
      %dma_wait3A_368 = arith.constant 0 : i32
      %dma_wait3A_369 = tpu.memref_slice %arg10[%dma_wait3A_367, %dma_wait3A_368] : memref<128x128xf32, #tpu.memory_space<vmem>> -> memref<16x128xf32, #tpu.memory_space<vmem>>
      %dma_wait3A_370 = arith.constant 80 : i32
      %dma_wait3A_371 = tpu.memref_slice %arg6[%dma_wait3A_370] : memref<128xi32, #tpu.memory_space<vmem>> -> memref<16xi32, #tpu.memory_space<vmem>>
      %dma_wait3A_372 = arith.constant 0 : i32
      %dma_wait3A_373 = arith.constant 0 : i32
      %dma_wait3A_374 = tpu.memref_slice %arg3[%dma_wait3A_372, %dma_wait3A_373] : memref<503808x128xf32, #tpu.memory_space<hbm>> -> memref<503808x128xf32, #tpu.memory_space<hbm>>
      tpu.wait_indirect_dma semaphore(%arg14 : memref<!tpu.dma_semaphore, #tpu.memory_space<semaphore_mem>>) src(%dma_wait3A_374 : memref<503808x128xf32, #tpu.memory_space<hbm>>) dst(%dma_wait3A_369 : memref<16x128xf32, #tpu.memory_space<vmem>>)
      %dma_wait3A_375 = arith.constant 96 : i32
      %dma_wait3A_376 = arith.constant 0 : i32
      %dma_wait3A_377 = tpu.memref_slice %arg10[%dma_wait3A_375, %dma_wait3A_376] : memref<128x128xf32, #tpu.memory_space<vmem>> -> memref<16x128xf32, #tpu.memory_space<vmem>>
      %dma_wait3A_378 = arith.constant 96 : i32
      %dma_wait3A_379 = tpu.memref_slice %arg6[%dma_wait3A_378] : memref<128xi32, #tpu.memory_space<vmem>> -> memref<16xi32, #tpu.memory_space<vmem>>
      %dma_wait3A_380 = arith.constant 0 : i32
      %dma_wait3A_381 = arith.constant 0 : i32
      %dma_wait3A_382 = tpu.memref_slice %arg3[%dma_wait3A_380, %dma_wait3A_381] : memref<503808x128xf32, #tpu.memory_space<hbm>> -> memref<503808x128xf32, #tpu.memory_space<hbm>>
      tpu.wait_indirect_dma semaphore(%arg14 : memref<!tpu.dma_semaphore, #tpu.memory_space<semaphore_mem>>) src(%dma_wait3A_382 : memref<503808x128xf32, #tpu.memory_space<hbm>>) dst(%dma_wait3A_377 : memref<16x128xf32, #tpu.memory_space<vmem>>)
      %dma_wait3A_383 = arith.constant 112 : i32
      %dma_wait3A_384 = arith.constant 0 : i32
      %dma_wait3A_385 = tpu.memref_slice %arg10[%dma_wait3A_383, %dma_wait3A_384] : memref<128x128xf32, #tpu.memory_space<vmem>> -> memref<16x128xf32, #tpu.memory_space<vmem>>
      %dma_wait3A_386 = arith.constant 112 : i32
      %dma_wait3A_387 = tpu.memref_slice %arg6[%dma_wait3A_386] : memref<128xi32, #tpu.memory_space<vmem>> -> memref<16xi32, #tpu.memory_space<vmem>>
      %dma_wait3A_388 = arith.constant 0 : i32
      %dma_wait3A_389 = arith.constant 0 : i32
      %dma_wait3A_390 = tpu.memref_slice %arg3[%dma_wait3A_388, %dma_wait3A_389] : memref<503808x128xf32, #tpu.memory_space<hbm>> -> memref<503808x128xf32, #tpu.memory_space<hbm>>
      tpu.wait_indirect_dma semaphore(%arg14 : memref<!tpu.dma_semaphore, #tpu.memory_space<semaphore_mem>>) src(%dma_wait3A_390 : memref<503808x128xf32, #tpu.memory_space<hbm>>) dst(%dma_wait3A_385 : memref<16x128xf32, #tpu.memory_space<vmem>>)
      %ge3A = arith.constant 2 : i32
      %ge3A_391 = arith.cmpi sge, %add3A_322, %ge3A : i32
      %convert_element_type3A_392 = arith.extui %ge3A_391 : i1 to i32
      %cond3A_393 = arith.constant 0 : i32
      %cond3A_394 = arith.cmpi ne, %convert_element_type3A_392, %cond3A_393 : i32
      scf.if %cond3A_394 {
        %dma_wait3A_531 = arith.constant 0 : i32
        %dma_wait3A_532 = tpu.memref_slice %arg4[%add3A_322, %dma_wait3A_531, %multiple_of3A] : memref<200x64x4096xf32, #tpu.memory_space<hbm>> -> memref<1x64x128xf32, #tpu.memory_space<hbm>>
        %dma_wait3A_533 = tpu.memref_squeeze %dma_wait3A_532 : memref<1x64x128xf32, #tpu.memory_space<hbm>> -> memref<64x128xf32, #tpu.memory_space<hbm>>
        %dma_wait3A_534 = arith.constant 0 : i32
        %dma_wait3A_535 = tpu.memref_slice %arg4[%add3A_322, %dma_wait3A_534, %multiple_of3A] : memref<200x64x4096xf32, #tpu.memory_space<hbm>> -> memref<1x64x128xf32, #tpu.memory_space<hbm>>
        %dma_wait3A_536 = tpu.memref_squeeze %dma_wait3A_535 : memref<1x64x128xf32, #tpu.memory_space<hbm>> -> memref<64x128xf32, #tpu.memory_space<hbm>>
        tpu.wait_dma2 semaphore(%arg16 : memref<!tpu.dma_semaphore, #tpu.memory_space<semaphore_mem>>) src(%arg12 : memref<64x128xf32, #tpu.memory_space<vmem>>) dst(%dma_wait3A_536 : memref<64x128xf32, #tpu.memory_space<hbm>>)
      } else {
      }
      %get3A_395 = arith.constant 0 : index
      %get3A_396 = tpu.vector_load %arg8[%get3A_395] {strides = array<i32>} : memref<128xi32, #tpu.memory_space<vmem>>, vector<16xi32>,
      %get3A_397 = arith.constant 16 : index
      %get3A_398 = tpu.vector_load %arg8[%get3A_397] {strides = array<i32>} : memref<128xi32, #tpu.memory_space<vmem>>, vector<16xi32>,
      %get3A_399 = arith.constant 32 : index
      %get3A_400 = tpu.vector_load %arg8[%get3A_399] {strides = array<i32>} : memref<128xi32, #tpu.memory_space<vmem>>, vector<16xi32>,
      %get3A_401 = arith.constant 48 : index
      %get3A_402 = tpu.vector_load %arg8[%get3A_401] {strides = array<i32>} : memref<128xi32, #tpu.memory_space<vmem>>, vector<16xi32>,
      %get3A_403 = arith.constant 64 : index
      %get3A_404 = tpu.vector_load %arg8[%get3A_403] {strides = array<i32>} : memref<128xi32, #tpu.memory_space<vmem>>, vector<16xi32>,
      %get3A_405 = arith.constant 80 : index
      %get3A_406 = tpu.vector_load %arg8[%get3A_405] {strides = array<i32>} : memref<128xi32, #tpu.memory_space<vmem>>, vector<16xi32>,
      %get3A_407 = arith.constant 96 : index
      %get3A_408 = tpu.vector_load %arg8[%get3A_407] {strides = array<i32>} : memref<128xi32, #tpu.memory_space<vmem>>, vector<16xi32>,
      %get3A_409 = arith.constant 112 : index
      %get3A_410 = tpu.vector_load %arg8[%get3A_409] {strides = array<i32>} : memref<128xi32, #tpu.memory_space<vmem>>, vector<16xi32>,
      %scan3A_411 = arith.constant 0 : i32
      %scan3A_412 = arith.constant 0 : i32
      %scan3A_413 = arith.constant 32 : i32
      %scan3A_414 = arith.addi %scan3A_412, %scan3A_413 : i32
      %scan3A_415 = arith.constant 1 : i32
      scf.for %scan3A_531 = %scan3A_412 to %scan3A_414 step %scan3A_415  : i32 {
        %mul3A_532 = arith.constant 2 : i32
        %mul3A_533 = arith.muli %mul3A_532, %scan3A_531 : i32
        %add3A_534 = arith.constant 0 : i32
        %add3A_535 = arith.addi %mul3A_533, %add3A_534 : i32
        %add3A_536 = vector.broadcast %add3A_535 : i32 to vector<16xi32>
        %add3A_537 = arith.addi %get3A_396, %add3A_536 : vector<16xi32>
        %gather3A = tpu.vector_load_idx %arg10[%add3A_7, %add3A_537] : memref<128x128xf32, #tpu.memory_space<vmem>>[vector<16xi32>, vector<16xi32>], vector<16xf32>,
        %add3A_538 = vector.broadcast %add3A_535 : i32 to vector<16xi32>
        %add3A_539 = arith.addi %get3A_398, %add3A_538 : vector<16xi32>
        %gather3A_540 = tpu.vector_load_idx %arg10[%add3A_13, %add3A_539] : memref<128x128xf32, #tpu.memory_space<vmem>>[vector<16xi32>, vector<16xi32>], vector<16xf32>,
        %add3A_541 = vector.broadcast %add3A_535 : i32 to vector<16xi32>
        %add3A_542 = arith.addi %get3A_400, %add3A_541 : vector<16xi32>
        %gather3A_543 = tpu.vector_load_idx %arg10[%add3A_19, %add3A_542] : memref<128x128xf32, #tpu.memory_space<vmem>>[vector<16xi32>, vector<16xi32>], vector<16xf32>,
        %add3A_544 = vector.broadcast %add3A_535 : i32 to vector<16xi32>
        %add3A_545 = arith.addi %get3A_402, %add3A_544 : vector<16xi32>
        %gather3A_546 = tpu.vector_load_idx %arg10[%add3A_25, %add3A_545] : memref<128x128xf32, #tpu.memory_space<vmem>>[vector<16xi32>, vector<16xi32>], vector<16xf32>,
        %add3A_547 = vector.broadcast %add3A_535 : i32 to vector<16xi32>
        %add3A_548 = arith.addi %get3A_404, %add3A_547 : vector<16xi32>
        %gather3A_549 = tpu.vector_load_idx %arg10[%add3A_31, %add3A_548] : memref<128x128xf32, #tpu.memory_space<vmem>>[vector<16xi32>, vector<16xi32>], vector<16xf32>,
        %add3A_550 = vector.broadcast %add3A_535 : i32 to vector<16xi32>
        %add3A_551 = arith.addi %get3A_406, %add3A_550 : vector<16xi32>
        %gather3A_552 = tpu.vector_load_idx %arg10[%add3A_37, %add3A_551] : memref<128x128xf32, #tpu.memory_space<vmem>>[vector<16xi32>, vector<16xi32>], vector<16xf32>,
        %add3A_553 = vector.broadcast %add3A_535 : i32 to vector<16xi32>
        %add3A_554 = arith.addi %get3A_408, %add3A_553 : vector<16xi32>
        %gather3A_555 = tpu.vector_load_idx %arg10[%add3A_43, %add3A_554] : memref<128x128xf32, #tpu.memory_space<vmem>>[vector<16xi32>, vector<16xi32>], vector<16xf32>,
        %add3A_556 = vector.broadcast %add3A_535 : i32 to vector<16xi32>
        %add3A_557 = arith.addi %get3A_410, %add3A_556 : vector<16xi32>
        %gather3A_558 = tpu.vector_load_idx %arg10[%add3A_49, %add3A_557] : memref<128x128xf32, #tpu.memory_space<vmem>>[vector<16xi32>, vector<16xi32>], vector<16xf32>,
        %mul3A_559 = arith.constant 2 : i32
        %mul3A_560 = arith.muli %mul3A_559, %scan3A_531 : i32
        %add3A_561 = arith.constant 1 : i32
        %add3A_562 = arith.addi %mul3A_560, %add3A_561 : i32
        %add3A_563 = vector.broadcast %add3A_562 : i32 to vector<16xi32>
        %add3A_564 = arith.addi %get3A_396, %add3A_563 : vector<16xi32>
        %gather3A_565 = tpu.vector_load_idx %arg10[%add3A_7, %add3A_564] : memref<128x128xf32, #tpu.memory_space<vmem>>[vector<16xi32>, vector<16xi32>], vector<16xf32>,
        %add3A_566 = vector.broadcast %add3A_562 : i32 to vector<16xi32>
        %add3A_567 = arith.addi %get3A_398, %add3A_566 : vector<16xi32>
        %gather3A_568 = tpu.vector_load_idx %arg10[%add3A_13, %add3A_567] : memref<128x128xf32, #tpu.memory_space<vmem>>[vector<16xi32>, vector<16xi32>], vector<16xf32>,
        %add3A_569 = vector.broadcast %add3A_562 : i32 to vector<16xi32>
        %add3A_570 = arith.addi %get3A_400, %add3A_569 : vector<16xi32>
        %gather3A_571 = tpu.vector_load_idx %arg10[%add3A_19, %add3A_570] : memref<128x128xf32, #tpu.memory_space<vmem>>[vector<16xi32>, vector<16xi32>], vector<16xf32>,
        %add3A_572 = vector.broadcast %add3A_562 : i32 to vector<16xi32>
        %add3A_573 = arith.addi %get3A_402, %add3A_572 : vector<16xi32>
        %gather3A_574 = tpu.vector_load_idx %arg10[%add3A_25, %add3A_573] : memref<128x128xf32, #tpu.memory_space<vmem>>[vector<16xi32>, vector<16xi32>], vector<16xf32>,
        %add3A_575 = vector.broadcast %add3A_562 : i32 to vector<16xi32>
        %add3A_576 = arith.addi %get3A_404, %add3A_575 : vector<16xi32>
        %gather3A_577 = tpu.vector_load_idx %arg10[%add3A_31, %add3A_576] : memref<128x128xf32, #tpu.memory_space<vmem>>[vector<16xi32>, vector<16xi32>], vector<16xf32>,
        %add3A_578 = vector.broadcast %add3A_562 : i32 to vector<16xi32>
        %add3A_579 = arith.addi %get3A_406, %add3A_578 : vector<16xi32>
        %gather3A_580 = tpu.vector_load_idx %arg10[%add3A_37, %add3A_579] : memref<128x128xf32, #tpu.memory_space<vmem>>[vector<16xi32>, vector<16xi32>], vector<16xf32>,
        %add3A_581 = vector.broadcast %add3A_562 : i32 to vector<16xi32>
        %add3A_582 = arith.addi %get3A_408, %add3A_581 : vector<16xi32>
        %gather3A_583 = tpu.vector_load_idx %arg10[%add3A_43, %add3A_582] : memref<128x128xf32, #tpu.memory_space<vmem>>[vector<16xi32>, vector<16xi32>], vector<16xf32>,
        %add3A_584 = vector.broadcast %add3A_562 : i32 to vector<16xi32>
        %add3A_585 = arith.addi %get3A_410, %add3A_584 : vector<16xi32>
        %gather3A_586 = tpu.vector_load_idx %arg10[%add3A_49, %add3A_585] : memref<128x128xf32, #tpu.memory_space<vmem>>[vector<16xi32>, vector<16xi32>], vector<16xf32>,
        %mul3A_587 = arith.constant 8.000000e+00 : f32
        %mul3A_588 = vector.broadcast %mul3A_587 : f32 to vector<16xf32>
        %mul3A_589 = arith.mulf %gather3A, %mul3A_588 : vector<16xf32>
        %mul3A_590 = arith.constant 2 : i32
        %mul3A_591 = arith.muli %mul3A_590, %scan3A_531 : i32
        %add3A_592 = arith.constant 0 : i32
        %add3A_593 = arith.addi %mul3A_591, %add3A_592 : i32
        %swap3A_594 = arith.index_cast %add3A_593 : i32 to index
        %swap3A_595 = arith.constant 0 : index
        %swap3A_596 = tpu.vector_load %arg12[%swap3A_594, %swap3A_595] {strides = array<i32>} : memref<64x128xf32, #tpu.memory_space<vmem>>, vector<16xf32>,
        tpu.vector_store %arg12[%swap3A_594, %swap3A_595], %mul3A_589 {strides = array<i32>} : memref<64x128xf32, #tpu.memory_space<vmem>>, vector<16xf32>,
        %mul3A_597 = arith.constant 8.000000e+00 : f32
        %mul3A_598 = vector.broadcast %mul3A_597 : f32 to vector<16xf32>
        %mul3A_599 = arith.mulf %gather3A_540, %mul3A_598 : vector<16xf32>
        %mul3A_600 = arith.constant 2 : i32
        %mul3A_601 = arith.muli %mul3A_600, %scan3A_531 : i32
        %add3A_602 = arith.constant 0 : i32
        %add3A_603 = arith.addi %mul3A_601, %add3A_602 : i32
        %swap3A_604 = arith.index_cast %add3A_603 : i32 to index
        %swap3A_605 = arith.constant 16 : index
        %swap3A_606 = tpu.vector_load %arg12[%swap3A_604, %swap3A_605] {strides = array<i32>} : memref<64x128xf32, #tpu.memory_space<vmem>>, vector<16xf32>,
        tpu.vector_store %arg12[%swap3A_604, %swap3A_605], %mul3A_599 {strides = array<i32>} : memref<64x128xf32, #tpu.memory_space<vmem>>, vector<16xf32>,
        %mul3A_607 = arith.constant 8.000000e+00 : f32
        %mul3A_608 = vector.broadcast %mul3A_607 : f32 to vector<16xf32>
        %mul3A_609 = arith.mulf %gather3A_543, %mul3A_608 : vector<16xf32>
        %mul3A_610 = arith.constant 2 : i32
        %mul3A_611 = arith.muli %mul3A_610, %scan3A_531 : i32
        %add3A_612 = arith.constant 0 : i32
        %add3A_613 = arith.addi %mul3A_611, %add3A_612 : i32
        %swap3A_614 = arith.index_cast %add3A_613 : i32 to index
        %swap3A_615 = arith.constant 32 : index
        %swap3A_616 = tpu.vector_load %arg12[%swap3A_614, %swap3A_615] {strides = array<i32>} : memref<64x128xf32, #tpu.memory_space<vmem>>, vector<16xf32>,
        tpu.vector_store %arg12[%swap3A_614, %swap3A_615], %mul3A_609 {strides = array<i32>} : memref<64x128xf32, #tpu.memory_space<vmem>>, vector<16xf32>,
        %mul3A_617 = arith.constant 8.000000e+00 : f32
        %mul3A_618 = vector.broadcast %mul3A_617 : f32 to vector<16xf32>
        %mul3A_619 = arith.mulf %gather3A_546, %mul3A_618 : vector<16xf32>
        %mul3A_620 = arith.constant 2 : i32
        %mul3A_621 = arith.muli %mul3A_620, %scan3A_531 : i32
        %add3A_622 = arith.constant 0 : i32
        %add3A_623 = arith.addi %mul3A_621, %add3A_622 : i32
        %swap3A_624 = arith.index_cast %add3A_623 : i32 to index
        %swap3A_625 = arith.constant 48 : index
        %swap3A_626 = tpu.vector_load %arg12[%swap3A_624, %swap3A_625] {strides = array<i32>} : memref<64x128xf32, #tpu.memory_space<vmem>>, vector<16xf32>,
        tpu.vector_store %arg12[%swap3A_624, %swap3A_625], %mul3A_619 {strides = array<i32>} : memref<64x128xf32, #tpu.memory_space<vmem>>, vector<16xf32>,
        %mul3A_627 = arith.constant 8.000000e+00 : f32
        %mul3A_628 = vector.broadcast %mul3A_627 : f32 to vector<16xf32>
        %mul3A_629 = arith.mulf %gather3A_549, %mul3A_628 : vector<16xf32>
        %mul3A_630 = arith.constant 2 : i32
        %mul3A_631 = arith.muli %mul3A_630, %scan3A_531 : i32
        %add3A_632 = arith.constant 0 : i32
        %add3A_633 = arith.addi %mul3A_631, %add3A_632 : i32
        %swap3A_634 = arith.index_cast %add3A_633 : i32 to index
        %swap3A_635 = arith.constant 64 : index
        %swap3A_636 = tpu.vector_load %arg12[%swap3A_634, %swap3A_635] {strides = array<i32>} : memref<64x128xf32, #tpu.memory_space<vmem>>, vector<16xf32>,
        tpu.vector_store %arg12[%swap3A_634, %swap3A_635], %mul3A_629 {strides = array<i32>} : memref<64x128xf32, #tpu.memory_space<vmem>>, vector<16xf32>,
        %mul3A_637 = arith.constant 8.000000e+00 : f32
        %mul3A_638 = vector.broadcast %mul3A_637 : f32 to vector<16xf32>
        %mul3A_639 = arith.mulf %gather3A_552, %mul3A_638 : vector<16xf32>
        %mul3A_640 = arith.constant 2 : i32
        %mul3A_641 = arith.muli %mul3A_640, %scan3A_531 : i32
        %add3A_642 = arith.constant 0 : i32
        %add3A_643 = arith.addi %mul3A_641, %add3A_642 : i32
        %swap3A_644 = arith.index_cast %add3A_643 : i32 to index
        %swap3A_645 = arith.constant 80 : index
        %swap3A_646 = tpu.vector_load %arg12[%swap3A_644, %swap3A_645] {strides = array<i32>} : memref<64x128xf32, #tpu.memory_space<vmem>>, vector<16xf32>,
        tpu.vector_store %arg12[%swap3A_644, %swap3A_645], %mul3A_639 {strides = array<i32>} : memref<64x128xf32, #tpu.memory_space<vmem>>, vector<16xf32>,
        %mul3A_647 = arith.constant 8.000000e+00 : f32
        %mul3A_648 = vector.broadcast %mul3A_647 : f32 to vector<16xf32>
        %mul3A_649 = arith.mulf %gather3A_555, %mul3A_648 : vector<16xf32>
        %mul3A_650 = arith.constant 2 : i32
        %mul3A_651 = arith.muli %mul3A_650, %scan3A_531 : i32
        %add3A_652 = arith.constant 0 : i32
        %add3A_653 = arith.addi %mul3A_651, %add3A_652 : i32
        %swap3A_654 = arith.index_cast %add3A_653 : i32 to index
        %swap3A_655 = arith.constant 96 : index
        %swap3A_656 = tpu.vector_load %arg12[%swap3A_654, %swap3A_655] {strides = array<i32>} : memref<64x128xf32, #tpu.memory_space<vmem>>, vector<16xf32>,
        tpu.vector_store %arg12[%swap3A_654, %swap3A_655], %mul3A_649 {strides = array<i32>} : memref<64x128xf32, #tpu.memory_space<vmem>>, vector<16xf32>,
        %mul3A_657 = arith.constant 8.000000e+00 : f32
        %mul3A_658 = vector.broadcast %mul3A_657 : f32 to vector<16xf32>
        %mul3A_659 = arith.mulf %gather3A_558, %mul3A_658 : vector<16xf32>
        %mul3A_660 = arith.constant 2 : i32
        %mul3A_661 = arith.muli %mul3A_660, %scan3A_531 : i32
        %add3A_662 = arith.constant 0 : i32
        %add3A_663 = arith.addi %mul3A_661, %add3A_662 : i32
        %swap3A_664 = arith.index_cast %add3A_663 : i32 to index
        %swap3A_665 = arith.constant 112 : index
        %swap3A_666 = tpu.vector_load %arg12[%swap3A_664, %swap3A_665] {strides = array<i32>} : memref<64x128xf32, #tpu.memory_space<vmem>>, vector<16xf32>,
        tpu.vector_store %arg12[%swap3A_664, %swap3A_665], %mul3A_659 {strides = array<i32>} : memref<64x128xf32, #tpu.memory_space<vmem>>, vector<16xf32>,
        %mul3A_667 = arith.constant 8.000000e+00 : f32
        %mul3A_668 = vector.broadcast %mul3A_667 : f32 to vector<16xf32>
        %mul3A_669 = arith.mulf %gather3A_565, %mul3A_668 : vector<16xf32>
        %mul3A_670 = arith.constant 2 : i32
        %mul3A_671 = arith.muli %mul3A_670, %scan3A_531 : i32
        %add3A_672 = arith.constant 1 : i32
        %add3A_673 = arith.addi %mul3A_671, %add3A_672 : i32
        %swap3A_674 = arith.index_cast %add3A_673 : i32 to index
        %swap3A_675 = arith.constant 0 : index
        %swap3A_676 = tpu.vector_load %arg12[%swap3A_674, %swap3A_675] {strides = array<i32>} : memref<64x128xf32, #tpu.memory_space<vmem>>, vector<16xf32>,
        tpu.vector_store %arg12[%swap3A_674, %swap3A_675], %mul3A_669 {strides = array<i32>} : memref<64x128xf32, #tpu.memory_space<vmem>>, vector<16xf32>,
        %mul3A_677 = arith.constant 8.000000e+00 : f32
        %mul3A_678 = vector.broadcast %mul3A_677 : f32 to vector<16xf32>
        %mul3A_679 = arith.mulf %gather3A_568, %mul3A_678 : vector<16xf32>
        %mul3A_680 = arith.constant 2 : i32
        %mul3A_681 = arith.muli %mul3A_680, %scan3A_531 : i32
        %add3A_682 = arith.constant 1 : i32
        %add3A_683 = arith.addi %mul3A_681, %add3A_682 : i32
        %swap3A_684 = arith.index_cast %add3A_683 : i32 to index
        %swap3A_685 = arith.constant 16 : index
        %swap3A_686 = tpu.vector_load %arg12[%swap3A_684, %swap3A_685] {strides = array<i32>} : memref<64x128xf32, #tpu.memory_space<vmem>>, vector<16xf32>,
        tpu.vector_store %arg12[%swap3A_684, %swap3A_685], %mul3A_679 {strides = array<i32>} : memref<64x128xf32, #tpu.memory_space<vmem>>, vector<16xf32>,
        %mul3A_687 = arith.constant 8.000000e+00 : f32
        %mul3A_688 = vector.broadcast %mul3A_687 : f32 to vector<16xf32>
        %mul3A_689 = arith.mulf %gather3A_571, %mul3A_688 : vector<16xf32>
        %mul3A_690 = arith.constant 2 : i32
        %mul3A_691 = arith.muli %mul3A_690, %scan3A_531 : i32
        %add3A_692 = arith.constant 1 : i32
        %add3A_693 = arith.addi %mul3A_691, %add3A_692 : i32
        %swap3A_694 = arith.index_cast %add3A_693 : i32 to index
        %swap3A_695 = arith.constant 32 : index
        %swap3A_696 = tpu.vector_load %arg12[%swap3A_694, %swap3A_695] {strides = array<i32>} : memref<64x128xf32, #tpu.memory_space<vmem>>, vector<16xf32>,
        tpu.vector_store %arg12[%swap3A_694, %swap3A_695], %mul3A_689 {strides = array<i32>} : memref<64x128xf32, #tpu.memory_space<vmem>>, vector<16xf32>,
        %mul3A_697 = arith.constant 8.000000e+00 : f32
        %mul3A_698 = vector.broadcast %mul3A_697 : f32 to vector<16xf32>
        %mul3A_699 = arith.mulf %gather3A_574, %mul3A_698 : vector<16xf32>
        %mul3A_700 = arith.constant 2 : i32
        %mul3A_701 = arith.muli %mul3A_700, %scan3A_531 : i32
        %add3A_702 = arith.constant 1 : i32
        %add3A_703 = arith.addi %mul3A_701, %add3A_702 : i32
        %swap3A_704 = arith.index_cast %add3A_703 : i32 to index
        %swap3A_705 = arith.constant 48 : index
        %swap3A_706 = tpu.vector_load %arg12[%swap3A_704, %swap3A_705] {strides = array<i32>} : memref<64x128xf32, #tpu.memory_space<vmem>>, vector<16xf32>,
        tpu.vector_store %arg12[%swap3A_704, %swap3A_705], %mul3A_699 {strides = array<i32>} : memref<64x128xf32, #tpu.memory_space<vmem>>, vector<16xf32>,
        %mul3A_707 = arith.constant 8.000000e+00 : f32
        %mul3A_708 = vector.broadcast %mul3A_707 : f32 to vector<16xf32>
        %mul3A_709 = arith.mulf %gather3A_577, %mul3A_708 : vector<16xf32>
        %mul3A_710 = arith.constant 2 : i32
        %mul3A_711 = arith.muli %mul3A_710, %scan3A_531 : i32
        %add3A_712 = arith.constant 1 : i32
        %add3A_713 = arith.addi %mul3A_711, %add3A_712 : i32
        %swap3A_714 = arith.index_cast %add3A_713 : i32 to index
        %swap3A_715 = arith.constant 64 : index
        %swap3A_716 = tpu.vector_load %arg12[%swap3A_714, %swap3A_715] {strides = array<i32>} : memref<64x128xf32, #tpu.memory_space<vmem>>, vector<16xf32>,
        tpu.vector_store %arg12[%swap3A_714, %swap3A_715], %mul3A_709 {strides = array<i32>} : memref<64x128xf32, #tpu.memory_space<vmem>>, vector<16xf32>,
        %mul3A_717 = arith.constant 8.000000e+00 : f32
        %mul3A_718 = vector.broadcast %mul3A_717 : f32 to vector<16xf32>
        %mul3A_719 = arith.mulf %gather3A_580, %mul3A_718 : vector<16xf32>
        %mul3A_720 = arith.constant 2 : i32
        %mul3A_721 = arith.muli %mul3A_720, %scan3A_531 : i32
        %add3A_722 = arith.constant 1 : i32
        %add3A_723 = arith.addi %mul3A_721, %add3A_722 : i32
        %swap3A_724 = arith.index_cast %add3A_723 : i32 to index
        %swap3A_725 = arith.constant 80 : index
        %swap3A_726 = tpu.vector_load %arg12[%swap3A_724, %swap3A_725] {strides = array<i32>} : memref<64x128xf32, #tpu.memory_space<vmem>>, vector<16xf32>,
        tpu.vector_store %arg12[%swap3A_724, %swap3A_725], %mul3A_719 {strides = array<i32>} : memref<64x128xf32, #tpu.memory_space<vmem>>, vector<16xf32>,
        %mul3A_727 = arith.constant 8.000000e+00 : f32
        %mul3A_728 = vector.broadcast %mul3A_727 : f32 to vector<16xf32>
        %mul3A_729 = arith.mulf %gather3A_583, %mul3A_728 : vector<16xf32>
        %mul3A_730 = arith.constant 2 : i32
        %mul3A_731 = arith.muli %mul3A_730, %scan3A_531 : i32
        %add3A_732 = arith.constant 1 : i32
        %add3A_733 = arith.addi %mul3A_731, %add3A_732 : i32
        %swap3A_734 = arith.index_cast %add3A_733 : i32 to index
        %swap3A_735 = arith.constant 96 : index
        %swap3A_736 = tpu.vector_load %arg12[%swap3A_734, %swap3A_735] {strides = array<i32>} : memref<64x128xf32, #tpu.memory_space<vmem>>, vector<16xf32>,
        tpu.vector_store %arg12[%swap3A_734, %swap3A_735], %mul3A_729 {strides = array<i32>} : memref<64x128xf32, #tpu.memory_space<vmem>>, vector<16xf32>,
        %mul3A_737 = arith.constant 8.000000e+00 : f32
        %mul3A_738 = vector.broadcast %mul3A_737 : f32 to vector<16xf32>
        %mul3A_739 = arith.mulf %gather3A_586, %mul3A_738 : vector<16xf32>
        %mul3A_740 = arith.constant 2 : i32
        %mul3A_741 = arith.muli %mul3A_740, %scan3A_531 : i32
        %add3A_742 = arith.constant 1 : i32
        %add3A_743 = arith.addi %mul3A_741, %add3A_742 : i32
        %swap3A_744 = arith.index_cast %add3A_743 : i32 to index
        %swap3A_745 = arith.constant 112 : index
        %swap3A_746 = tpu.vector_load %arg12[%swap3A_744, %swap3A_745] {strides = array<i32>} : memref<64x128xf32, #tpu.memory_space<vmem>>, vector<16xf32>,
        tpu.vector_store %arg12[%swap3A_744, %swap3A_745], %mul3A_739 {strides = array<i32>} : memref<64x128xf32, #tpu.memory_space<vmem>>, vector<16xf32>,
      }
      %scan3A_416 = arith.constant 32 : i32
      %dma_start3A_417 = arith.constant 0 : i32
      %dma_start3A_418 = tpu.memref_slice %arg4[%add3A_322, %dma_start3A_417, %multiple_of3A] : memref<200x64x4096xf32, #tpu.memory_space<hbm>> -> memref<1x64x128xf32, #tpu.memory_space<hbm>>
      %dma_start3A_419 = tpu.memref_squeeze %dma_start3A_418 : memref<1x64x128xf32, #tpu.memory_space<hbm>> -> memref<64x128xf32, #tpu.memory_space<hbm>>
      %dma_start3A_420 = arith.constant 0 : i32
      %dma_start3A_421 = tpu.memref_slice %arg4[%add3A_322, %dma_start3A_420, %multiple_of3A] : memref<200x64x4096xf32, #tpu.memory_space<hbm>> -> memref<1x64x128xf32, #tpu.memory_space<hbm>>
      %dma_start3A_422 = tpu.memref_squeeze %dma_start3A_421 : memref<1x64x128xf32, #tpu.memory_space<hbm>> -> memref<64x128xf32, #tpu.memory_space<hbm>>
      tpu.enqueue_dma source(%arg12 : memref<64x128xf32, #tpu.memory_space<vmem>>) target(%dma_start3A_422 : memref<64x128xf32, #tpu.memory_space<hbm>>) target_semaphore(%arg16 : memref<!tpu.dma_semaphore, #tpu.memory_space<semaphore_mem>>)
      %mul3A_423 = arith.constant 2 : i32
      %mul3A_424 = arith.muli %mul3A_423, %scan3A_318 : i32
      %add3A_425 = arith.constant 1 : i32
      %add3A_426 = arith.addi %mul3A_424, %add3A_425 : i32
      %add3A_427 = arith.constant 1 : i32
      %add3A_428 = arith.addi %add3A_426, %add3A_427 : i32
      %lt3A_429 = arith.constant 200 : i32
      %lt3A_430 = arith.cmpi slt, %add3A_428, %lt3A_429 : i32
      %convert_element_type3A_431 = arith.extui %lt3A_430 : i1 to i32
      %cond3A_432 = arith.constant 0 : i32
      %cond3A_433 = arith.cmpi ne, %convert_element_type3A_431, %cond3A_432 : i32
      scf.if %cond3A_433 {
        %add3A_531 = arith.constant 1 : i32
        %add3A_532 = arith.addi %add3A_426, %add3A_531 : i32
        %get3A_533 = arith.index_cast %add3A_532 : i32 to index
        %get3A_534 = arith.constant 0 : index
        %get3A_535 = tpu.vector_load %arg5[%get3A_533, %get3A_534] {strides = array<i32>} : memref<200x128xi32, #tpu.memory_space<vmem>>, vector<16xi32>,
        %shift_right_logical3A_536 = arith.constant 1 : i32
        %shift_right_logical3A_537 = vector.broadcast %shift_right_logical3A_536 : i32 to vector<16xi32>
        %shift_right_logical3A_538 = arith.shrui %get3A_535, %shift_right_logical3A_537 : vector<16xi32>
        %and3A_539 = arith.constant -4096 : i32
        %and3A_540 = vector.broadcast %and3A_539 : i32 to vector<16xi32>
        %and3A_541 = arith.andi %shift_right_logical3A_538, %and3A_540 : vector<16xi32>
        %and3A_542 = arith.constant 4095 : i32
        %and3A_543 = vector.broadcast %and3A_542 : i32 to vector<16xi32>
        %and3A_544 = arith.andi %get3A_535, %and3A_543 : vector<16xi32>
        %or3A_545 = arith.ori %and3A_541, %and3A_544 : vector<16xi32>
        %swap3A_546 = arith.constant 0 : index
        %swap3A_547 = tpu.vector_load %arg6[%swap3A_546] {strides = array<i32>} : memref<128xi32, #tpu.memory_space<vmem>>, vector<16xi32>,
        tpu.vector_store %arg6[%swap3A_546], %or3A_545 {strides = array<i32>} : memref<128xi32, #tpu.memory_space<vmem>>, vector<16xi32>,
        %and3A_548 = arith.constant 4096 : i32
        %and3A_549 = vector.broadcast %and3A_548 : i32 to vector<16xi32>
        %and3A_550 = arith.andi %get3A_535, %and3A_549 : vector<16xi32>
        %shift_right_logical3A_551 = arith.constant 6 : i32
        %shift_right_logical3A_552 = vector.broadcast %shift_right_logical3A_551 : i32 to vector<16xi32>
        %shift_right_logical3A_553 = arith.shrui %and3A_550, %shift_right_logical3A_552 : vector<16xi32>
        %swap3A_554 = arith.constant 0 : index
        %swap3A_555 = tpu.vector_load %arg8[%swap3A_554] {strides = array<i32>} : memref<128xi32, #tpu.memory_space<vmem>>, vector<16xi32>,
        tpu.vector_store %arg8[%swap3A_554], %shift_right_logical3A_553 {strides = array<i32>} : memref<128xi32, #tpu.memory_space<vmem>>, vector<16xi32>,
        %get3A_556 = arith.index_cast %add3A_532 : i32 to index
        %get3A_557 = arith.constant 16 : index
        %get3A_558 = tpu.vector_load %arg5[%get3A_556, %get3A_557] {strides = array<i32>} : memref<200x128xi32, #tpu.memory_space<vmem>>, vector<16xi32>,
        %shift_right_logical3A_559 = arith.constant 1 : i32
        %shift_right_logical3A_560 = vector.broadcast %shift_right_logical3A_559 : i32 to vector<16xi32>
        %shift_right_logical3A_561 = arith.shrui %get3A_558, %shift_right_logical3A_560 : vector<16xi32>
        %and3A_562 = arith.constant -4096 : i32
        %and3A_563 = vector.broadcast %and3A_562 : i32 to vector<16xi32>
        %and3A_564 = arith.andi %shift_right_logical3A_561, %and3A_563 : vector<16xi32>
        %and3A_565 = arith.constant 4095 : i32
        %and3A_566 = vector.broadcast %and3A_565 : i32 to vector<16xi32>
        %and3A_567 = arith.andi %get3A_558, %and3A_566 : vector<16xi32>
        %or3A_568 = arith.ori %and3A_564, %and3A_567 : vector<16xi32>
        %swap3A_569 = arith.constant 16 : index
        %swap3A_570 = tpu.vector_load %arg6[%swap3A_569] {strides = array<i32>} : memref<128xi32, #tpu.memory_space<vmem>>, vector<16xi32>,
        tpu.vector_store %arg6[%swap3A_569], %or3A_568 {strides = array<i32>} : memref<128xi32, #tpu.memory_space<vmem>>, vector<16xi32>,
        %and3A_571 = arith.constant 4096 : i32
        %and3A_572 = vector.broadcast %and3A_571 : i32 to vector<16xi32>
        %and3A_573 = arith.andi %get3A_558, %and3A_572 : vector<16xi32>
        %shift_right_logical3A_574 = arith.constant 6 : i32
        %shift_right_logical3A_575 = vector.broadcast %shift_right_logical3A_574 : i32 to vector<16xi32>
        %shift_right_logical3A_576 = arith.shrui %and3A_573, %shift_right_logical3A_575 : vector<16xi32>
        %swap3A_577 = arith.constant 16 : index
        %swap3A_578 = tpu.vector_load %arg8[%swap3A_577] {strides = array<i32>} : memref<128xi32, #tpu.memory_space<vmem>>, vector<16xi32>,
        tpu.vector_store %arg8[%swap3A_577], %shift_right_logical3A_576 {strides = array<i32>} : memref<128xi32, #tpu.memory_space<vmem>>, vector<16xi32>,
        %get3A_579 = arith.index_cast %add3A_532 : i32 to index
        %get3A_580 = arith.constant 32 : index
        %get3A_581 = tpu.vector_load %arg5[%get3A_579, %get3A_580] {strides = array<i32>} : memref<200x128xi32, #tpu.memory_space<vmem>>, vector<16xi32>,
        %shift_right_logical3A_582 = arith.constant 1 : i32
        %shift_right_logical3A_583 = vector.broadcast %shift_right_logical3A_582 : i32 to vector<16xi32>
        %shift_right_logical3A_584 = arith.shrui %get3A_581, %shift_right_logical3A_583 : vector<16xi32>
        %and3A_585 = arith.constant -4096 : i32
        %and3A_586 = vector.broadcast %and3A_585 : i32 to vector<16xi32>
        %and3A_587 = arith.andi %shift_right_logical3A_584, %and3A_586 : vector<16xi32>
        %and3A_588 = arith.constant 4095 : i32
        %and3A_589 = vector.broadcast %and3A_588 : i32 to vector<16xi32>
        %and3A_590 = arith.andi %get3A_581, %and3A_589 : vector<16xi32>
        %or3A_591 = arith.ori %and3A_587, %and3A_590 : vector<16xi32>
        %swap3A_592 = arith.constant 32 : index
        %swap3A_593 = tpu.vector_load %arg6[%swap3A_592] {strides = array<i32>} : memref<128xi32, #tpu.memory_space<vmem>>, vector<16xi32>,
        tpu.vector_store %arg6[%swap3A_592], %or3A_591 {strides = array<i32>} : memref<128xi32, #tpu.memory_space<vmem>>, vector<16xi32>,
        %and3A_594 = arith.constant 4096 : i32
        %and3A_595 = vector.broadcast %and3A_594 : i32 to vector<16xi32>
        %and3A_596 = arith.andi %get3A_581, %and3A_595 : vector<16xi32>
        %shift_right_logical3A_597 = arith.constant 6 : i32
        %shift_right_logical3A_598 = vector.broadcast %shift_right_logical3A_597 : i32 to vector<16xi32>
        %shift_right_logical3A_599 = arith.shrui %and3A_596, %shift_right_logical3A_598 : vector<16xi32>
        %swap3A_600 = arith.constant 32 : index
        %swap3A_601 = tpu.vector_load %arg8[%swap3A_600] {strides = array<i32>} : memref<128xi32, #tpu.memory_space<vmem>>, vector<16xi32>,
        tpu.vector_store %arg8[%swap3A_600], %shift_right_logical3A_599 {strides = array<i32>} : memref<128xi32, #tpu.memory_space<vmem>>, vector<16xi32>,
        %get3A_602 = arith.index_cast %add3A_532 : i32 to index
        %get3A_603 = arith.constant 48 : index
        %get3A_604 = tpu.vector_load %arg5[%get3A_602, %get3A_603] {strides = array<i32>} : memref<200x128xi32, #tpu.memory_space<vmem>>, vector<16xi32>,
        %shift_right_logical3A_605 = arith.constant 1 : i32
        %shift_right_logical3A_606 = vector.broadcast %shift_right_logical3A_605 : i32 to vector<16xi32>
        %shift_right_logical3A_607 = arith.shrui %get3A_604, %shift_right_logical3A_606 : vector<16xi32>
        %and3A_608 = arith.constant -4096 : i32
        %and3A_609 = vector.broadcast %and3A_608 : i32 to vector<16xi32>
        %and3A_610 = arith.andi %shift_right_logical3A_607, %and3A_609 : vector<16xi32>
        %and3A_611 = arith.constant 4095 : i32
        %and3A_612 = vector.broadcast %and3A_611 : i32 to vector<16xi32>
        %and3A_613 = arith.andi %get3A_604, %and3A_612 : vector<16xi32>
        %or3A_614 = arith.ori %and3A_610, %and3A_613 : vector<16xi32>
        %swap3A_615 = arith.constant 48 : index
        %swap3A_616 = tpu.vector_load %arg6[%swap3A_615] {strides = array<i32>} : memref<128xi32, #tpu.memory_space<vmem>>, vector<16xi32>,
        tpu.vector_store %arg6[%swap3A_615], %or3A_614 {strides = array<i32>} : memref<128xi32, #tpu.memory_space<vmem>>, vector<16xi32>,
        %and3A_617 = arith.constant 4096 : i32
        %and3A_618 = vector.broadcast %and3A_617 : i32 to vector<16xi32>
        %and3A_619 = arith.andi %get3A_604, %and3A_618 : vector<16xi32>
        %shift_right_logical3A_620 = arith.constant 6 : i32
        %shift_right_logical3A_621 = vector.broadcast %shift_right_logical3A_620 : i32 to vector<16xi32>
        %shift_right_logical3A_622 = arith.shrui %and3A_619, %shift_right_logical3A_621 : vector<16xi32>
        %swap3A_623 = arith.constant 48 : index
        %swap3A_624 = tpu.vector_load %arg8[%swap3A_623] {strides = array<i32>} : memref<128xi32, #tpu.memory_space<vmem>>, vector<16xi32>,
        tpu.vector_store %arg8[%swap3A_623], %shift_right_logical3A_622 {strides = array<i32>} : memref<128xi32, #tpu.memory_space<vmem>>, vector<16xi32>,
        %get3A_625 = arith.index_cast %add3A_532 : i32 to index
        %get3A_626 = arith.constant 64 : index
        %get3A_627 = tpu.vector_load %arg5[%get3A_625, %get3A_626] {strides = array<i32>} : memref<200x128xi32, #tpu.memory_space<vmem>>, vector<16xi32>,
        %shift_right_logical3A_628 = arith.constant 1 : i32
        %shift_right_logical3A_629 = vector.broadcast %shift_right_logical3A_628 : i32 to vector<16xi32>
        %shift_right_logical3A_630 = arith.shrui %get3A_627, %shift_right_logical3A_629 : vector<16xi32>
        %and3A_631 = arith.constant -4096 : i32
        %and3A_632 = vector.broadcast %and3A_631 : i32 to vector<16xi32>
        %and3A_633 = arith.andi %shift_right_logical3A_630, %and3A_632 : vector<16xi32>
        %and3A_634 = arith.constant 4095 : i32
        %and3A_635 = vector.broadcast %and3A_634 : i32 to vector<16xi32>
        %and3A_636 = arith.andi %get3A_627, %and3A_635 : vector<16xi32>
        %or3A_637 = arith.ori %and3A_633, %and3A_636 : vector<16xi32>
        %swap3A_638 = arith.constant 64 : index
        %swap3A_639 = tpu.vector_load %arg6[%swap3A_638] {strides = array<i32>} : memref<128xi32, #tpu.memory_space<vmem>>, vector<16xi32>,
        tpu.vector_store %arg6[%swap3A_638], %or3A_637 {strides = array<i32>} : memref<128xi32, #tpu.memory_space<vmem>>, vector<16xi32>,
        %and3A_640 = arith.constant 4096 : i32
        %and3A_641 = vector.broadcast %and3A_640 : i32 to vector<16xi32>
        %and3A_642 = arith.andi %get3A_627, %and3A_641 : vector<16xi32>
        %shift_right_logical3A_643 = arith.constant 6 : i32
        %shift_right_logical3A_644 = vector.broadcast %shift_right_logical3A_643 : i32 to vector<16xi32>
        %shift_right_logical3A_645 = arith.shrui %and3A_642, %shift_right_logical3A_644 : vector<16xi32>
        %swap3A_646 = arith.constant 64 : index
        %swap3A_647 = tpu.vector_load %arg8[%swap3A_646] {strides = array<i32>} : memref<128xi32, #tpu.memory_space<vmem>>, vector<16xi32>,
        tpu.vector_store %arg8[%swap3A_646], %shift_right_logical3A_645 {strides = array<i32>} : memref<128xi32, #tpu.memory_space<vmem>>, vector<16xi32>,
        %get3A_648 = arith.index_cast %add3A_532 : i32 to index
        %get3A_649 = arith.constant 80 : index
        %get3A_650 = tpu.vector_load %arg5[%get3A_648, %get3A_649] {strides = array<i32>} : memref<200x128xi32, #tpu.memory_space<vmem>>, vector<16xi32>,
        %shift_right_logical3A_651 = arith.constant 1 : i32
        %shift_right_logical3A_652 = vector.broadcast %shift_right_logical3A_651 : i32 to vector<16xi32>
        %shift_right_logical3A_653 = arith.shrui %get3A_650, %shift_right_logical3A_652 : vector<16xi32>
        %and3A_654 = arith.constant -4096 : i32
        %and3A_655 = vector.broadcast %and3A_654 : i32 to vector<16xi32>
        %and3A_656 = arith.andi %shift_right_logical3A_653, %and3A_655 : vector<16xi32>
        %and3A_657 = arith.constant 4095 : i32
        %and3A_658 = vector.broadcast %and3A_657 : i32 to vector<16xi32>
        %and3A_659 = arith.andi %get3A_650, %and3A_658 : vector<16xi32>
        %or3A_660 = arith.ori %and3A_656, %and3A_659 : vector<16xi32>
        %swap3A_661 = arith.constant 80 : index
        %swap3A_662 = tpu.vector_load %arg6[%swap3A_661] {strides = array<i32>} : memref<128xi32, #tpu.memory_space<vmem>>, vector<16xi32>,
        tpu.vector_store %arg6[%swap3A_661], %or3A_660 {strides = array<i32>} : memref<128xi32, #tpu.memory_space<vmem>>, vector<16xi32>,
        %and3A_663 = arith.constant 4096 : i32
        %and3A_664 = vector.broadcast %and3A_663 : i32 to vector<16xi32>
        %and3A_665 = arith.andi %get3A_650, %and3A_664 : vector<16xi32>
        %shift_right_logical3A_666 = arith.constant 6 : i32
        %shift_right_logical3A_667 = vector.broadcast %shift_right_logical3A_666 : i32 to vector<16xi32>
        %shift_right_logical3A_668 = arith.shrui %and3A_665, %shift_right_logical3A_667 : vector<16xi32>
        %swap3A_669 = arith.constant 80 : index
        %swap3A_670 = tpu.vector_load %arg8[%swap3A_669] {strides = array<i32>} : memref<128xi32, #tpu.memory_space<vmem>>, vector<16xi32>,
        tpu.vector_store %arg8[%swap3A_669], %shift_right_logical3A_668 {strides = array<i32>} : memref<128xi32, #tpu.memory_space<vmem>>, vector<16xi32>,
        %get3A_671 = arith.index_cast %add3A_532 : i32 to index
        %get3A_672 = arith.constant 96 : index
        %get3A_673 = tpu.vector_load %arg5[%get3A_671, %get3A_672] {strides = array<i32>} : memref<200x128xi32, #tpu.memory_space<vmem>>, vector<16xi32>,
        %shift_right_logical3A_674 = arith.constant 1 : i32
        %shift_right_logical3A_675 = vector.broadcast %shift_right_logical3A_674 : i32 to vector<16xi32>
        %shift_right_logical3A_676 = arith.shrui %get3A_673, %shift_right_logical3A_675 : vector<16xi32>
        %and3A_677 = arith.constant -4096 : i32
        %and3A_678 = vector.broadcast %and3A_677 : i32 to vector<16xi32>
        %and3A_679 = arith.andi %shift_right_logical3A_676, %and3A_678 : vector<16xi32>
        %and3A_680 = arith.constant 4095 : i32
        %and3A_681 = vector.broadcast %and3A_680 : i32 to vector<16xi32>
        %and3A_682 = arith.andi %get3A_673, %and3A_681 : vector<16xi32>
        %or3A_683 = arith.ori %and3A_679, %and3A_682 : vector<16xi32>
        %swap3A_684 = arith.constant 96 : index
        %swap3A_685 = tpu.vector_load %arg6[%swap3A_684] {strides = array<i32>} : memref<128xi32, #tpu.memory_space<vmem>>, vector<16xi32>,
        tpu.vector_store %arg6[%swap3A_684], %or3A_683 {strides = array<i32>} : memref<128xi32, #tpu.memory_space<vmem>>, vector<16xi32>,
        %and3A_686 = arith.constant 4096 : i32
        %and3A_687 = vector.broadcast %and3A_686 : i32 to vector<16xi32>
        %and3A_688 = arith.andi %get3A_673, %and3A_687 : vector<16xi32>
        %shift_right_logical3A_689 = arith.constant 6 : i32
        %shift_right_logical3A_690 = vector.broadcast %shift_right_logical3A_689 : i32 to vector<16xi32>
        %shift_right_logical3A_691 = arith.shrui %and3A_688, %shift_right_logical3A_690 : vector<16xi32>
        %swap3A_692 = arith.constant 96 : index
        %swap3A_693 = tpu.vector_load %arg8[%swap3A_692] {strides = array<i32>} : memref<128xi32, #tpu.memory_space<vmem>>, vector<16xi32>,
        tpu.vector_store %arg8[%swap3A_692], %shift_right_logical3A_691 {strides = array<i32>} : memref<128xi32, #tpu.memory_space<vmem>>, vector<16xi32>,
        %get3A_694 = arith.index_cast %add3A_532 : i32 to index
        %get3A_695 = arith.constant 112 : index
        %get3A_696 = tpu.vector_load %arg5[%get3A_694, %get3A_695] {strides = array<i32>} : memref<200x128xi32, #tpu.memory_space<vmem>>, vector<16xi32>,
        %shift_right_logical3A_697 = arith.constant 1 : i32
        %shift_right_logical3A_698 = vector.broadcast %shift_right_logical3A_697 : i32 to vector<16xi32>
        %shift_right_logical3A_699 = arith.shrui %get3A_696, %shift_right_logical3A_698 : vector<16xi32>
        %and3A_700 = arith.constant -4096 : i32
        %and3A_701 = vector.broadcast %and3A_700 : i32 to vector<16xi32>
        %and3A_702 = arith.andi %shift_right_logical3A_699, %and3A_701 : vector<16xi32>
        %and3A_703 = arith.constant 4095 : i32
        %and3A_704 = vector.broadcast %and3A_703 : i32 to vector<16xi32>
        %and3A_705 = arith.andi %get3A_696, %and3A_704 : vector<16xi32>
        %or3A_706 = arith.ori %and3A_702, %and3A_705 : vector<16xi32>
        %swap3A_707 = arith.constant 112 : index
        %swap3A_708 = tpu.vector_load %arg6[%swap3A_707] {strides = array<i32>} : memref<128xi32, #tpu.memory_space<vmem>>, vector<16xi32>,
        tpu.vector_store %arg6[%swap3A_707], %or3A_706 {strides = array<i32>} : memref<128xi32, #tpu.memory_space<vmem>>, vector<16xi32>,
        %and3A_709 = arith.constant 4096 : i32
        %and3A_710 = vector.broadcast %and3A_709 : i32 to vector<16xi32>
        %and3A_711 = arith.andi %get3A_696, %and3A_710 : vector<16xi32>
        %shift_right_logical3A_712 = arith.constant 6 : i32
        %shift_right_logical3A_713 = vector.broadcast %shift_right_logical3A_712 : i32 to vector<16xi32>
        %shift_right_logical3A_714 = arith.shrui %and3A_711, %shift_right_logical3A_713 : vector<16xi32>
        %swap3A_715 = arith.constant 112 : index
        %swap3A_716 = tpu.vector_load %arg8[%swap3A_715] {strides = array<i32>} : memref<128xi32, #tpu.memory_space<vmem>>, vector<16xi32>,
        tpu.vector_store %arg8[%swap3A_715], %shift_right_logical3A_714 {strides = array<i32>} : memref<128xi32, #tpu.memory_space<vmem>>, vector<16xi32>,
        %dma_start3A_717 = arith.constant 0 : i32
        %dma_start3A_718 = arith.constant 0 : i32
        %dma_start3A_719 = tpu.memref_slice %arg10[%dma_start3A_717, %dma_start3A_718] : memref<128x128xf32, #tpu.memory_space<vmem>> -> memref<16x128xf32, #tpu.memory_space<vmem>>
        %dma_start3A_720 = arith.constant 0 : i32
        %dma_start3A_721 = tpu.memref_slice %arg6[%dma_start3A_720] : memref<128xi32, #tpu.memory_space<vmem>> -> memref<16xi32, #tpu.memory_space<vmem>>
        %dma_start3A_722 = arith.constant 0 : i32
        %dma_start3A_723 = arith.constant 0 : i32
        %dma_start3A_724 = tpu.memref_slice %arg3[%dma_start3A_722, %dma_start3A_723] : memref<503808x128xf32, #tpu.memory_space<hbm>> -> memref<503808x128xf32, #tpu.memory_space<hbm>>
        tpu.enqueue_indirect_dma source(%dma_start3A_724 : memref<503808x128xf32, #tpu.memory_space<hbm>>) target(%dma_start3A_719 : memref<16x128xf32, #tpu.memory_space<vmem>>) offsets(%dma_start3A_721 : memref<16xi32, #tpu.memory_space<vmem>>) semaphore(%arg14 : memref<!tpu.dma_semaphore, #tpu.memory_space<semaphore_mem>>)
        %dma_start3A_725 = arith.constant 16 : i32
        %dma_start3A_726 = arith.constant 0 : i32
        %dma_start3A_727 = tpu.memref_slice %arg10[%dma_start3A_725, %dma_start3A_726] : memref<128x128xf32, #tpu.memory_space<vmem>> -> memref<16x128xf32, #tpu.memory_space<vmem>>
        %dma_start3A_728 = arith.constant 16 : i32
        %dma_start3A_729 = tpu.memref_slice %arg6[%dma_start3A_728] : memref<128xi32, #tpu.memory_space<vmem>> -> memref<16xi32, #tpu.memory_space<vmem>>
        %dma_start3A_730 = arith.constant 0 : i32
        %dma_start3A_731 = arith.constant 0 : i32
        %dma_start3A_732 = tpu.memref_slice %arg3[%dma_start3A_730, %dma_start3A_731] : memref<503808x128xf32, #tpu.memory_space<hbm>> -> memref<503808x128xf32, #tpu.memory_space<hbm>>
        tpu.enqueue_indirect_dma source(%dma_start3A_732 : memref<503808x128xf32, #tpu.memory_space<hbm>>) target(%dma_start3A_727 : memref<16x128xf32, #tpu.memory_space<vmem>>) offsets(%dma_start3A_729 : memref<16xi32, #tpu.memory_space<vmem>>) semaphore(%arg14 : memref<!tpu.dma_semaphore, #tpu.memory_space<semaphore_mem>>)
        %dma_start3A_733 = arith.constant 32 : i32
        %dma_start3A_734 = arith.constant 0 : i32
        %dma_start3A_735 = tpu.memref_slice %arg10[%dma_start3A_733, %dma_start3A_734] : memref<128x128xf32, #tpu.memory_space<vmem>> -> memref<16x128xf32, #tpu.memory_space<vmem>>
        %dma_start3A_736 = arith.constant 32 : i32
        %dma_start3A_737 = tpu.memref_slice %arg6[%dma_start3A_736] : memref<128xi32, #tpu.memory_space<vmem>> -> memref<16xi32, #tpu.memory_space<vmem>>
        %dma_start3A_738 = arith.constant 0 : i32
        %dma_start3A_739 = arith.constant 0 : i32
        %dma_start3A_740 = tpu.memref_slice %arg3[%dma_start3A_738, %dma_start3A_739] : memref<503808x128xf32, #tpu.memory_space<hbm>> -> memref<503808x128xf32, #tpu.memory_space<hbm>>
        tpu.enqueue_indirect_dma source(%dma_start3A_740 : memref<503808x128xf32, #tpu.memory_space<hbm>>) target(%dma_start3A_735 : memref<16x128xf32, #tpu.memory_space<vmem>>) offsets(%dma_start3A_737 : memref<16xi32, #tpu.memory_space<vmem>>) semaphore(%arg14 : memref<!tpu.dma_semaphore, #tpu.memory_space<semaphore_mem>>)
        %dma_start3A_741 = arith.constant 48 : i32
        %dma_start3A_742 = arith.constant 0 : i32
        %dma_start3A_743 = tpu.memref_slice %arg10[%dma_start3A_741, %dma_start3A_742] : memref<128x128xf32, #tpu.memory_space<vmem>> -> memref<16x128xf32, #tpu.memory_space<vmem>>
        %dma_start3A_744 = arith.constant 48 : i32
        %dma_start3A_745 = tpu.memref_slice %arg6[%dma_start3A_744] : memref<128xi32, #tpu.memory_space<vmem>> -> memref<16xi32, #tpu.memory_space<vmem>>
        %dma_start3A_746 = arith.constant 0 : i32
        %dma_start3A_747 = arith.constant 0 : i32
        %dma_start3A_748 = tpu.memref_slice %arg3[%dma_start3A_746, %dma_start3A_747] : memref<503808x128xf32, #tpu.memory_space<hbm>> -> memref<503808x128xf32, #tpu.memory_space<hbm>>
        tpu.enqueue_indirect_dma source(%dma_start3A_748 : memref<503808x128xf32, #tpu.memory_space<hbm>>) target(%dma_start3A_743 : memref<16x128xf32, #tpu.memory_space<vmem>>) offsets(%dma_start3A_745 : memref<16xi32, #tpu.memory_space<vmem>>) semaphore(%arg14 : memref<!tpu.dma_semaphore, #tpu.memory_space<semaphore_mem>>)
        %dma_start3A_749 = arith.constant 64 : i32
        %dma_start3A_750 = arith.constant 0 : i32
        %dma_start3A_751 = tpu.memref_slice %arg10[%dma_start3A_749, %dma_start3A_750] : memref<128x128xf32, #tpu.memory_space<vmem>> -> memref<16x128xf32, #tpu.memory_space<vmem>>
        %dma_start3A_752 = arith.constant 64 : i32
        %dma_start3A_753 = tpu.memref_slice %arg6[%dma_start3A_752] : memref<128xi32, #tpu.memory_space<vmem>> -> memref<16xi32, #tpu.memory_space<vmem>>
        %dma_start3A_754 = arith.constant 0 : i32
        %dma_start3A_755 = arith.constant 0 : i32
        %dma_start3A_756 = tpu.memref_slice %arg3[%dma_start3A_754, %dma_start3A_755] : memref<503808x128xf32, #tpu.memory_space<hbm>> -> memref<503808x128xf32, #tpu.memory_space<hbm>>
        tpu.enqueue_indirect_dma source(%dma_start3A_756 : memref<503808x128xf32, #tpu.memory_space<hbm>>) target(%dma_start3A_751 : memref<16x128xf32, #tpu.memory_space<vmem>>) offsets(%dma_start3A_753 : memref<16xi32, #tpu.memory_space<vmem>>) semaphore(%arg14 : memref<!tpu.dma_semaphore, #tpu.memory_space<semaphore_mem>>)
        %dma_start3A_757 = arith.constant 80 : i32
        %dma_start3A_758 = arith.constant 0 : i32
        %dma_start3A_759 = tpu.memref_slice %arg10[%dma_start3A_757, %dma_start3A_758] : memref<128x128xf32, #tpu.memory_space<vmem>> -> memref<16x128xf32, #tpu.memory_space<vmem>>
        %dma_start3A_760 = arith.constant 80 : i32
        %dma_start3A_761 = tpu.memref_slice %arg6[%dma_start3A_760] : memref<128xi32, #tpu.memory_space<vmem>> -> memref<16xi32, #tpu.memory_space<vmem>>
        %dma_start3A_762 = arith.constant 0 : i32
        %dma_start3A_763 = arith.constant 0 : i32
        %dma_start3A_764 = tpu.memref_slice %arg3[%dma_start3A_762, %dma_start3A_763] : memref<503808x128xf32, #tpu.memory_space<hbm>> -> memref<503808x128xf32, #tpu.memory_space<hbm>>
        tpu.enqueue_indirect_dma source(%dma_start3A_764 : memref<503808x128xf32, #tpu.memory_space<hbm>>) target(%dma_start3A_759 : memref<16x128xf32, #tpu.memory_space<vmem>>) offsets(%dma_start3A_761 : memref<16xi32, #tpu.memory_space<vmem>>) semaphore(%arg14 : memref<!tpu.dma_semaphore, #tpu.memory_space<semaphore_mem>>)
        %dma_start3A_765 = arith.constant 96 : i32
        %dma_start3A_766 = arith.constant 0 : i32
        %dma_start3A_767 = tpu.memref_slice %arg10[%dma_start3A_765, %dma_start3A_766] : memref<128x128xf32, #tpu.memory_space<vmem>> -> memref<16x128xf32, #tpu.memory_space<vmem>>
        %dma_start3A_768 = arith.constant 96 : i32
        %dma_start3A_769 = tpu.memref_slice %arg6[%dma_start3A_768] : memref<128xi32, #tpu.memory_space<vmem>> -> memref<16xi32, #tpu.memory_space<vmem>>
        %dma_start3A_770 = arith.constant 0 : i32
        %dma_start3A_771 = arith.constant 0 : i32
        %dma_start3A_772 = tpu.memref_slice %arg3[%dma_start3A_770, %dma_start3A_771] : memref<503808x128xf32, #tpu.memory_space<hbm>> -> memref<503808x128xf32, #tpu.memory_space<hbm>>
        tpu.enqueue_indirect_dma source(%dma_start3A_772 : memref<503808x128xf32, #tpu.memory_space<hbm>>) target(%dma_start3A_767 : memref<16x128xf32, #tpu.memory_space<vmem>>) offsets(%dma_start3A_769 : memref<16xi32, #tpu.memory_space<vmem>>) semaphore(%arg14 : memref<!tpu.dma_semaphore, #tpu.memory_space<semaphore_mem>>)
        %dma_start3A_773 = arith.constant 112 : i32
        %dma_start3A_774 = arith.constant 0 : i32
        %dma_start3A_775 = tpu.memref_slice %arg10[%dma_start3A_773, %dma_start3A_774] : memref<128x128xf32, #tpu.memory_space<vmem>> -> memref<16x128xf32, #tpu.memory_space<vmem>>
        %dma_start3A_776 = arith.constant 112 : i32
        %dma_start3A_777 = tpu.memref_slice %arg6[%dma_start3A_776] : memref<128xi32, #tpu.memory_space<vmem>> -> memref<16xi32, #tpu.memory_space<vmem>>
        %dma_start3A_778 = arith.constant 0 : i32
        %dma_start3A_779 = arith.constant 0 : i32
        %dma_start3A_780 = tpu.memref_slice %arg3[%dma_start3A_778, %dma_start3A_779] : memref<503808x128xf32, #tpu.memory_space<hbm>> -> memref<503808x128xf32, #tpu.memory_space<hbm>>
        tpu.enqueue_indirect_dma source(%dma_start3A_780 : memref<503808x128xf32, #tpu.memory_space<hbm>>) target(%dma_start3A_775 : memref<16x128xf32, #tpu.memory_space<vmem>>) offsets(%dma_start3A_777 : memref<16xi32, #tpu.memory_space<vmem>>) semaphore(%arg14 : memref<!tpu.dma_semaphore, #tpu.memory_space<semaphore_mem>>)
      } else {
      }
      %dma_wait3A_434 = arith.constant 0 : i32
      %dma_wait3A_435 = arith.constant 0 : i32
      %dma_wait3A_436 = tpu.memref_slice %arg11[%dma_wait3A_434, %dma_wait3A_435] : memref<128x128xf32, #tpu.memory_space<vmem>> -> memref<16x128xf32, #tpu.memory_space<vmem>>
      %dma_wait3A_437 = arith.constant 0 : i32
      %dma_wait3A_438 = tpu.memref_slice %arg7[%dma_wait3A_437] : memref<128xi32, #tpu.memory_space<vmem>> -> memref<16xi32, #tpu.memory_space<vmem>>
      %dma_wait3A_439 = arith.constant 0 : i32
      %dma_wait3A_440 = arith.constant 0 : i32
      %dma_wait3A_441 = tpu.memref_slice %arg3[%dma_wait3A_439, %dma_wait3A_440] : memref<503808x128xf32, #tpu.memory_space<hbm>> -> memref<503808x128xf32, #tpu.memory_space<hbm>>
      tpu.wait_indirect_dma semaphore(%arg15 : memref<!tpu.dma_semaphore, #tpu.memory_space<semaphore_mem>>) src(%dma_wait3A_441 : memref<503808x128xf32, #tpu.memory_space<hbm>>) dst(%dma_wait3A_436 : memref<16x128xf32, #tpu.memory_space<vmem>>)
      %dma_wait3A_442 = arith.constant 16 : i32
      %dma_wait3A_443 = arith.constant 0 : i32
      %dma_wait3A_444 = tpu.memref_slice %arg11[%dma_wait3A_442, %dma_wait3A_443] : memref<128x128xf32, #tpu.memory_space<vmem>> -> memref<16x128xf32, #tpu.memory_space<vmem>>
      %dma_wait3A_445 = arith.constant 16 : i32
      %dma_wait3A_446 = tpu.memref_slice %arg7[%dma_wait3A_445] : memref<128xi32, #tpu.memory_space<vmem>> -> memref<16xi32, #tpu.memory_space<vmem>>
      %dma_wait3A_447 = arith.constant 0 : i32
      %dma_wait3A_448 = arith.constant 0 : i32
      %dma_wait3A_449 = tpu.memref_slice %arg3[%dma_wait3A_447, %dma_wait3A_448] : memref<503808x128xf32, #tpu.memory_space<hbm>> -> memref<503808x128xf32, #tpu.memory_space<hbm>>
      tpu.wait_indirect_dma semaphore(%arg15 : memref<!tpu.dma_semaphore, #tpu.memory_space<semaphore_mem>>) src(%dma_wait3A_449 : memref<503808x128xf32, #tpu.memory_space<hbm>>) dst(%dma_wait3A_444 : memref<16x128xf32, #tpu.memory_space<vmem>>)
      %dma_wait3A_450 = arith.constant 32 : i32
      %dma_wait3A_451 = arith.constant 0 : i32
      %dma_wait3A_452 = tpu.memref_slice %arg11[%dma_wait3A_450, %dma_wait3A_451] : memref<128x128xf32, #tpu.memory_space<vmem>> -> memref<16x128xf32, #tpu.memory_space<vmem>>
      %dma_wait3A_453 = arith.constant 32 : i32
      %dma_wait3A_454 = tpu.memref_slice %arg7[%dma_wait3A_453] : memref<128xi32, #tpu.memory_space<vmem>> -> memref<16xi32, #tpu.memory_space<vmem>>
      %dma_wait3A_455 = arith.constant 0 : i32
      %dma_wait3A_456 = arith.constant 0 : i32
      %dma_wait3A_457 = tpu.memref_slice %arg3[%dma_wait3A_455, %dma_wait3A_456] : memref<503808x128xf32, #tpu.memory_space<hbm>> -> memref<503808x128xf32, #tpu.memory_space<hbm>>
      tpu.wait_indirect_dma semaphore(%arg15 : memref<!tpu.dma_semaphore, #tpu.memory_space<semaphore_mem>>) src(%dma_wait3A_457 : memref<503808x128xf32, #tpu.memory_space<hbm>>) dst(%dma_wait3A_452 : memref<16x128xf32, #tpu.memory_space<vmem>>)
      %dma_wait3A_458 = arith.constant 48 : i32
      %dma_wait3A_459 = arith.constant 0 : i32
      %dma_wait3A_460 = tpu.memref_slice %arg11[%dma_wait3A_458, %dma_wait3A_459] : memref<128x128xf32, #tpu.memory_space<vmem>> -> memref<16x128xf32, #tpu.memory_space<vmem>>
      %dma_wait3A_461 = arith.constant 48 : i32
      %dma_wait3A_462 = tpu.memref_slice %arg7[%dma_wait3A_461] : memref<128xi32, #tpu.memory_space<vmem>> -> memref<16xi32, #tpu.memory_space<vmem>>
      %dma_wait3A_463 = arith.constant 0 : i32
      %dma_wait3A_464 = arith.constant 0 : i32
      %dma_wait3A_465 = tpu.memref_slice %arg3[%dma_wait3A_463, %dma_wait3A_464] : memref<503808x128xf32, #tpu.memory_space<hbm>> -> memref<503808x128xf32, #tpu.memory_space<hbm>>
      tpu.wait_indirect_dma semaphore(%arg15 : memref<!tpu.dma_semaphore, #tpu.memory_space<semaphore_mem>>) src(%dma_wait3A_465 : memref<503808x128xf32, #tpu.memory_space<hbm>>) dst(%dma_wait3A_460 : memref<16x128xf32, #tpu.memory_space<vmem>>)
      %dma_wait3A_466 = arith.constant 64 : i32
      %dma_wait3A_467 = arith.constant 0 : i32
      %dma_wait3A_468 = tpu.memref_slice %arg11[%dma_wait3A_466, %dma_wait3A_467] : memref<128x128xf32, #tpu.memory_space<vmem>> -> memref<16x128xf32, #tpu.memory_space<vmem>>
      %dma_wait3A_469 = arith.constant 64 : i32
      %dma_wait3A_470 = tpu.memref_slice %arg7[%dma_wait3A_469] : memref<128xi32, #tpu.memory_space<vmem>> -> memref<16xi32, #tpu.memory_space<vmem>>
      %dma_wait3A_471 = arith.constant 0 : i32
      %dma_wait3A_472 = arith.constant 0 : i32
      %dma_wait3A_473 = tpu.memref_slice %arg3[%dma_wait3A_471, %dma_wait3A_472] : memref<503808x128xf32, #tpu.memory_space<hbm>> -> memref<503808x128xf32, #tpu.memory_space<hbm>>
      tpu.wait_indirect_dma semaphore(%arg15 : memref<!tpu.dma_semaphore, #tpu.memory_space<semaphore_mem>>) src(%dma_wait3A_473 : memref<503808x128xf32, #tpu.memory_space<hbm>>) dst(%dma_wait3A_468 : memref<16x128xf32, #tpu.memory_space<vmem>>)
      %dma_wait3A_474 = arith.constant 80 : i32
      %dma_wait3A_475 = arith.constant 0 : i32
      %dma_wait3A_476 = tpu.memref_slice %arg11[%dma_wait3A_474, %dma_wait3A_475] : memref<128x128xf32, #tpu.memory_space<vmem>> -> memref<16x128xf32, #tpu.memory_space<vmem>>
      %dma_wait3A_477 = arith.constant 80 : i32
      %dma_wait3A_478 = tpu.memref_slice %arg7[%dma_wait3A_477] : memref<128xi32, #tpu.memory_space<vmem>> -> memref<16xi32, #tpu.memory_space<vmem>>
      %dma_wait3A_479 = arith.constant 0 : i32
      %dma_wait3A_480 = arith.constant 0 : i32
      %dma_wait3A_481 = tpu.memref_slice %arg3[%dma_wait3A_479, %dma_wait3A_480] : memref<503808x128xf32, #tpu.memory_space<hbm>> -> memref<503808x128xf32, #tpu.memory_space<hbm>>
      tpu.wait_indirect_dma semaphore(%arg15 : memref<!tpu.dma_semaphore, #tpu.memory_space<semaphore_mem>>) src(%dma_wait3A_481 : memref<503808x128xf32, #tpu.memory_space<hbm>>) dst(%dma_wait3A_476 : memref<16x128xf32, #tpu.memory_space<vmem>>)
      %dma_wait3A_482 = arith.constant 96 : i32
      %dma_wait3A_483 = arith.constant 0 : i32
      %dma_wait3A_484 = tpu.memref_slice %arg11[%dma_wait3A_482, %dma_wait3A_483] : memref<128x128xf32, #tpu.memory_space<vmem>> -> memref<16x128xf32, #tpu.memory_space<vmem>>
      %dma_wait3A_485 = arith.constant 96 : i32
      %dma_wait3A_486 = tpu.memref_slice %arg7[%dma_wait3A_485] : memref<128xi32, #tpu.memory_space<vmem>> -> memref<16xi32, #tpu.memory_space<vmem>>
      %dma_wait3A_487 = arith.constant 0 : i32
      %dma_wait3A_488 = arith.constant 0 : i32
      %dma_wait3A_489 = tpu.memref_slice %arg3[%dma_wait3A_487, %dma_wait3A_488] : memref<503808x128xf32, #tpu.memory_space<hbm>> -> memref<503808x128xf32, #tpu.memory_space<hbm>>
      tpu.wait_indirect_dma semaphore(%arg15 : memref<!tpu.dma_semaphore, #tpu.memory_space<semaphore_mem>>) src(%dma_wait3A_489 : memref<503808x128xf32, #tpu.memory_space<hbm>>) dst(%dma_wait3A_484 : memref<16x128xf32, #tpu.memory_space<vmem>>)
      %dma_wait3A_490 = arith.constant 112 : i32
      %dma_wait3A_491 = arith.constant 0 : i32
      %dma_wait3A_492 = tpu.memref_slice %arg11[%dma_wait3A_490, %dma_wait3A_491] : memref<128x128xf32, #tpu.memory_space<vmem>> -> memref<16x128xf32, #tpu.memory_space<vmem>>
      %dma_wait3A_493 = arith.constant 112 : i32
      %dma_wait3A_494 = tpu.memref_slice %arg7[%dma_wait3A_493] : memref<128xi32, #tpu.memory_space<vmem>> -> memref<16xi32, #tpu.memory_space<vmem>>
      %dma_wait3A_495 = arith.constant 0 : i32
      %dma_wait3A_496 = arith.constant 0 : i32
      %dma_wait3A_497 = tpu.memref_slice %arg3[%dma_wait3A_495, %dma_wait3A_496] : memref<503808x128xf32, #tpu.memory_space<hbm>> -> memref<503808x128xf32, #tpu.memory_space<hbm>>
      tpu.wait_indirect_dma semaphore(%arg15 : memref<!tpu.dma_semaphore, #tpu.memory_space<semaphore_mem>>) src(%dma_wait3A_497 : memref<503808x128xf32, #tpu.memory_space<hbm>>) dst(%dma_wait3A_492 : memref<16x128xf32, #tpu.memory_space<vmem>>)
      %ge3A_498 = arith.constant 2 : i32
      %ge3A_499 = arith.cmpi sge, %add3A_426, %ge3A_498 : i32
      %convert_element_type3A_500 = arith.extui %ge3A_499 : i1 to i32
      %cond3A_501 = arith.constant 0 : i32
      %cond3A_502 = arith.cmpi ne, %convert_element_type3A_500, %cond3A_501 : i32
      scf.if %cond3A_502 {
        %dma_wait3A_531 = arith.constant 0 : i32
        %dma_wait3A_532 = tpu.memref_slice %arg4[%add3A_426, %dma_wait3A_531, %multiple_of3A] : memref<200x64x4096xf32, #tpu.memory_space<hbm>> -> memref<1x64x128xf32, #tpu.memory_space<hbm>>
        %dma_wait3A_533 = tpu.memref_squeeze %dma_wait3A_532 : memref<1x64x128xf32, #tpu.memory_space<hbm>> -> memref<64x128xf32, #tpu.memory_space<hbm>>
        %dma_wait3A_534 = arith.constant 0 : i32
        %dma_wait3A_535 = tpu.memref_slice %arg4[%add3A_426, %dma_wait3A_534, %multiple_of3A] : memref<200x64x4096xf32, #tpu.memory_space<hbm>> -> memref<1x64x128xf32, #tpu.memory_space<hbm>>
        %dma_wait3A_536 = tpu.memref_squeeze %dma_wait3A_535 : memref<1x64x128xf32, #tpu.memory_space<hbm>> -> memref<64x128xf32, #tpu.memory_space<hbm>>
        tpu.wait_dma2 semaphore(%arg17 : memref<!tpu.dma_semaphore, #tpu.memory_space<semaphore_mem>>) src(%arg13 : memref<64x128xf32, #tpu.memory_space<vmem>>) dst(%dma_wait3A_536 : memref<64x128xf32, #tpu.memory_space<hbm>>)
      } else {
      }
      %get3A_503 = arith.constant 0 : index
      %get3A_504 = tpu.vector_load %arg9[%get3A_503] {strides = array<i32>} : memref<128xi32, #tpu.memory_space<vmem>>, vector<16xi32>,
      %get3A_505 = arith.constant 16 : index
      %get3A_506 = tpu.vector_load %arg9[%get3A_505] {strides = array<i32>} : memref<128xi32, #tpu.memory_space<vmem>>, vector<16xi32>,
      %get3A_507 = arith.constant 32 : index
      %get3A_508 = tpu.vector_load %arg9[%get3A_507] {strides = array<i32>} : memref<128xi32, #tpu.memory_space<vmem>>, vector<16xi32>,
      %get3A_509 = arith.constant 48 : index
      %get3A_510 = tpu.vector_load %arg9[%get3A_509] {strides = array<i32>} : memref<128xi32, #tpu.memory_space<vmem>>, vector<16xi32>,
      %get3A_511 = arith.constant 64 : index
      %get3A_512 = tpu.vector_load %arg9[%get3A_511] {strides = array<i32>} : memref<128xi32, #tpu.memory_space<vmem>>, vector<16xi32>,
      %get3A_513 = arith.constant 80 : index
      %get3A_514 = tpu.vector_load %arg9[%get3A_513] {strides = array<i32>} : memref<128xi32, #tpu.memory_space<vmem>>, vector<16xi32>,
      %get3A_515 = arith.constant 96 : index
      %get3A_516 = tpu.vector_load %arg9[%get3A_515] {strides = array<i32>} : memref<128xi32, #tpu.memory_space<vmem>>, vector<16xi32>,
      %get3A_517 = arith.constant 112 : index
      %get3A_518 = tpu.vector_load %arg9[%get3A_517] {strides = array<i32>} : memref<128xi32, #tpu.memory_space<vmem>>, vector<16xi32>,
      %scan3A_519 = arith.constant 0 : i32
      %scan3A_520 = arith.constant 0 : i32
      %scan3A_521 = arith.constant 32 : i32
      %scan3A_522 = arith.addi %scan3A_520, %scan3A_521 : i32
      %scan3A_523 = arith.constant 1 : i32
      scf.for %scan3A_531 = %scan3A_520 to %scan3A_522 step %scan3A_523  : i32 {
        %mul3A_532 = arith.constant 2 : i32
        %mul3A_533 = arith.muli %mul3A_532, %scan3A_531 : i32
        %add3A_534 = arith.constant 0 : i32
        %add3A_535 = arith.addi %mul3A_533, %add3A_534 : i32
        %add3A_536 = vector.broadcast %add3A_535 : i32 to vector<16xi32>
        %add3A_537 = arith.addi %get3A_504, %add3A_536 : vector<16xi32>
        %gather3A = tpu.vector_load_idx %arg11[%add3A_7, %add3A_537] : memref<128x128xf32, #tpu.memory_space<vmem>>[vector<16xi32>, vector<16xi32>], vector<16xf32>,
        %add3A_538 = vector.broadcast %add3A_535 : i32 to vector<16xi32>
        %add3A_539 = arith.addi %get3A_506, %add3A_538 : vector<16xi32>
        %gather3A_540 = tpu.vector_load_idx %arg11[%add3A_13, %add3A_539] : memref<128x128xf32, #tpu.memory_space<vmem>>[vector<16xi32>, vector<16xi32>], vector<16xf32>,
        %add3A_541 = vector.broadcast %add3A_535 : i32 to vector<16xi32>
        %add3A_542 = arith.addi %get3A_508, %add3A_541 : vector<16xi32>
        %gather3A_543 = tpu.vector_load_idx %arg11[%add3A_19, %add3A_542] : memref<128x128xf32, #tpu.memory_space<vmem>>[vector<16xi32>, vector<16xi32>], vector<16xf32>,
        %add3A_544 = vector.broadcast %add3A_535 : i32 to vector<16xi32>
        %add3A_545 = arith.addi %get3A_510, %add3A_544 : vector<16xi32>
        %gather3A_546 = tpu.vector_load_idx %arg11[%add3A_25, %add3A_545] : memref<128x128xf32, #tpu.memory_space<vmem>>[vector<16xi32>, vector<16xi32>], vector<16xf32>,
        %add3A_547 = vector.broadcast %add3A_535 : i32 to vector<16xi32>
        %add3A_548 = arith.addi %get3A_512, %add3A_547 : vector<16xi32>
        %gather3A_549 = tpu.vector_load_idx %arg11[%add3A_31, %add3A_548] : memref<128x128xf32, #tpu.memory_space<vmem>>[vector<16xi32>, vector<16xi32>], vector<16xf32>,
        %add3A_550 = vector.broadcast %add3A_535 : i32 to vector<16xi32>
        %add3A_551 = arith.addi %get3A_514, %add3A_550 : vector<16xi32>
        %gather3A_552 = tpu.vector_load_idx %arg11[%add3A_37, %add3A_551] : memref<128x128xf32, #tpu.memory_space<vmem>>[vector<16xi32>, vector<16xi32>], vector<16xf32>,
        %add3A_553 = vector.broadcast %add3A_535 : i32 to vector<16xi32>
        %add3A_554 = arith.addi %get3A_516, %add3A_553 : vector<16xi32>
        %gather3A_555 = tpu.vector_load_idx %arg11[%add3A_43, %add3A_554] : memref<128x128xf32, #tpu.memory_space<vmem>>[vector<16xi32>, vector<16xi32>], vector<16xf32>,
        %add3A_556 = vector.broadcast %add3A_535 : i32 to vector<16xi32>
        %add3A_557 = arith.addi %get3A_518, %add3A_556 : vector<16xi32>
        %gather3A_558 = tpu.vector_load_idx %arg11[%add3A_49, %add3A_557] : memref<128x128xf32, #tpu.memory_space<vmem>>[vector<16xi32>, vector<16xi32>], vector<16xf32>,
        %mul3A_559 = arith.constant 2 : i32
        %mul3A_560 = arith.muli %mul3A_559, %scan3A_531 : i32
        %add3A_561 = arith.constant 1 : i32
        %add3A_562 = arith.addi %mul3A_560, %add3A_561 : i32
        %add3A_563 = vector.broadcast %add3A_562 : i32 to vector<16xi32>
        %add3A_564 = arith.addi %get3A_504, %add3A_563 : vector<16xi32>
        %gather3A_565 = tpu.vector_load_idx %arg11[%add3A_7, %add3A_564] : memref<128x128xf32, #tpu.memory_space<vmem>>[vector<16xi32>, vector<16xi32>], vector<16xf32>,
        %add3A_566 = vector.broadcast %add3A_562 : i32 to vector<16xi32>
        %add3A_567 = arith.addi %get3A_506, %add3A_566 : vector<16xi32>
        %gather3A_568 = tpu.vector_load_idx %arg11[%add3A_13, %add3A_567] : memref<128x128xf32, #tpu.memory_space<vmem>>[vector<16xi32>, vector<16xi32>], vector<16xf32>,
        %add3A_569 = vector.broadcast %add3A_562 : i32 to vector<16xi32>
        %add3A_570 = arith.addi %get3A_508, %add3A_569 : vector<16xi32>
        %gather3A_571 = tpu.vector_load_idx %arg11[%add3A_19, %add3A_570] : memref<128x128xf32, #tpu.memory_space<vmem>>[vector<16xi32>, vector<16xi32>], vector<16xf32>,
        %add3A_572 = vector.broadcast %add3A_562 : i32 to vector<16xi32>
        %add3A_573 = arith.addi %get3A_510, %add3A_572 : vector<16xi32>
        %gather3A_574 = tpu.vector_load_idx %arg11[%add3A_25, %add3A_573] : memref<128x128xf32, #tpu.memory_space<vmem>>[vector<16xi32>, vector<16xi32>], vector<16xf32>,
        %add3A_575 = vector.broadcast %add3A_562 : i32 to vector<16xi32>
        %add3A_576 = arith.addi %get3A_512, %add3A_575 : vector<16xi32>
        %gather3A_577 = tpu.vector_load_idx %arg11[%add3A_31, %add3A_576] : memref<128x128xf32, #tpu.memory_space<vmem>>[vector<16xi32>, vector<16xi32>], vector<16xf32>,
        %add3A_578 = vector.broadcast %add3A_562 : i32 to vector<16xi32>
        %add3A_579 = arith.addi %get3A_514, %add3A_578 : vector<16xi32>
        %gather3A_580 = tpu.vector_load_idx %arg11[%add3A_37, %add3A_579] : memref<128x128xf32, #tpu.memory_space<vmem>>[vector<16xi32>, vector<16xi32>], vector<16xf32>,
        %add3A_581 = vector.broadcast %add3A_562 : i32 to vector<16xi32>
        %add3A_582 = arith.addi %get3A_516, %add3A_581 : vector<16xi32>
        %gather3A_583 = tpu.vector_load_idx %arg11[%add3A_43, %add3A_582] : memref<128x128xf32, #tpu.memory_space<vmem>>[vector<16xi32>, vector<16xi32>], vector<16xf32>,
        %add3A_584 = vector.broadcast %add3A_562 : i32 to vector<16xi32>
        %add3A_585 = arith.addi %get3A_518, %add3A_584 : vector<16xi32>
        %gather3A_586 = tpu.vector_load_idx %arg11[%add3A_49, %add3A_585] : memref<128x128xf32, #tpu.memory_space<vmem>>[vector<16xi32>, vector<16xi32>], vector<16xf32>,
        %mul3A_587 = arith.constant 8.000000e+00 : f32
        %mul3A_588 = vector.broadcast %mul3A_587 : f32 to vector<16xf32>
        %mul3A_589 = arith.mulf %gather3A, %mul3A_588 : vector<16xf32>
        %mul3A_590 = arith.constant 2 : i32
        %mul3A_591 = arith.muli %mul3A_590, %scan3A_531 : i32
        %add3A_592 = arith.constant 0 : i32
        %add3A_593 = arith.addi %mul3A_591, %add3A_592 : i32
        %swap3A_594 = arith.index_cast %add3A_593 : i32 to index
        %swap3A_595 = arith.constant 0 : index
        %swap3A_596 = tpu.vector_load %arg13[%swap3A_594, %swap3A_595] {strides = array<i32>} : memref<64x128xf32, #tpu.memory_space<vmem>>, vector<16xf32>,
        tpu.vector_store %arg13[%swap3A_594, %swap3A_595], %mul3A_589 {strides = array<i32>} : memref<64x128xf32, #tpu.memory_space<vmem>>, vector<16xf32>,
        %mul3A_597 = arith.constant 8.000000e+00 : f32
        %mul3A_598 = vector.broadcast %mul3A_597 : f32 to vector<16xf32>
        %mul3A_599 = arith.mulf %gather3A_540, %mul3A_598 : vector<16xf32>
        %mul3A_600 = arith.constant 2 : i32
        %mul3A_601 = arith.muli %mul3A_600, %scan3A_531 : i32
        %add3A_602 = arith.constant 0 : i32
        %add3A_603 = arith.addi %mul3A_601, %add3A_602 : i32
        %swap3A_604 = arith.index_cast %add3A_603 : i32 to index
        %swap3A_605 = arith.constant 16 : index
        %swap3A_606 = tpu.vector_load %arg13[%swap3A_604, %swap3A_605] {strides = array<i32>} : memref<64x128xf32, #tpu.memory_space<vmem>>, vector<16xf32>,
        tpu.vector_store %arg13[%swap3A_604, %swap3A_605], %mul3A_599 {strides = array<i32>} : memref<64x128xf32, #tpu.memory_space<vmem>>, vector<16xf32>,
        %mul3A_607 = arith.constant 8.000000e+00 : f32
        %mul3A_608 = vector.broadcast %mul3A_607 : f32 to vector<16xf32>
        %mul3A_609 = arith.mulf %gather3A_543, %mul3A_608 : vector<16xf32>
        %mul3A_610 = arith.constant 2 : i32
        %mul3A_611 = arith.muli %mul3A_610, %scan3A_531 : i32
        %add3A_612 = arith.constant 0 : i32
        %add3A_613 = arith.addi %mul3A_611, %add3A_612 : i32
        %swap3A_614 = arith.index_cast %add3A_613 : i32 to index
        %swap3A_615 = arith.constant 32 : index
        %swap3A_616 = tpu.vector_load %arg13[%swap3A_614, %swap3A_615] {strides = array<i32>} : memref<64x128xf32, #tpu.memory_space<vmem>>, vector<16xf32>,
        tpu.vector_store %arg13[%swap3A_614, %swap3A_615], %mul3A_609 {strides = array<i32>} : memref<64x128xf32, #tpu.memory_space<vmem>>, vector<16xf32>,
        %mul3A_617 = arith.constant 8.000000e+00 : f32
        %mul3A_618 = vector.broadcast %mul3A_617 : f32 to vector<16xf32>
        %mul3A_619 = arith.mulf %gather3A_546, %mul3A_618 : vector<16xf32>
        %mul3A_620 = arith.constant 2 : i32
        %mul3A_621 = arith.muli %mul3A_620, %scan3A_531 : i32
        %add3A_622 = arith.constant 0 : i32
        %add3A_623 = arith.addi %mul3A_621, %add3A_622 : i32
        %swap3A_624 = arith.index_cast %add3A_623 : i32 to index
        %swap3A_625 = arith.constant 48 : index
        %swap3A_626 = tpu.vector_load %arg13[%swap3A_624, %swap3A_625] {strides = array<i32>} : memref<64x128xf32, #tpu.memory_space<vmem>>, vector<16xf32>,
        tpu.vector_store %arg13[%swap3A_624, %swap3A_625], %mul3A_619 {strides = array<i32>} : memref<64x128xf32, #tpu.memory_space<vmem>>, vector<16xf32>,
        %mul3A_627 = arith.constant 8.000000e+00 : f32
        %mul3A_628 = vector.broadcast %mul3A_627 : f32 to vector<16xf32>
        %mul3A_629 = arith.mulf %gather3A_549, %mul3A_628 : vector<16xf32>
        %mul3A_630 = arith.constant 2 : i32
        %mul3A_631 = arith.muli %mul3A_630, %scan3A_531 : i32
        %add3A_632 = arith.constant 0 : i32
        %add3A_633 = arith.addi %mul3A_631, %add3A_632 : i32
        %swap3A_634 = arith.index_cast %add3A_633 : i32 to index
        %swap3A_635 = arith.constant 64 : index
        %swap3A_636 = tpu.vector_load %arg13[%swap3A_634, %swap3A_635] {strides = array<i32>} : memref<64x128xf32, #tpu.memory_space<vmem>>, vector<16xf32>,
        tpu.vector_store %arg13[%swap3A_634, %swap3A_635], %mul3A_629 {strides = array<i32>} : memref<64x128xf32, #tpu.memory_space<vmem>>, vector<16xf32>,
        %mul3A_637 = arith.constant 8.000000e+00 : f32
        %mul3A_638 = vector.broadcast %mul3A_637 : f32 to vector<16xf32>
        %mul3A_639 = arith.mulf %gather3A_552, %mul3A_638 : vector<16xf32>
        %mul3A_640 = arith.constant 2 : i32
        %mul3A_641 = arith.muli %mul3A_640, %scan3A_531 : i32
        %add3A_642 = arith.constant 0 : i32
        %add3A_643 = arith.addi %mul3A_641, %add3A_642 : i32
        %swap3A_644 = arith.index_cast %add3A_643 : i32 to index
        %swap3A_645 = arith.constant 80 : index
        %swap3A_646 = tpu.vector_load %arg13[%swap3A_644, %swap3A_645] {strides = array<i32>} : memref<64x128xf32, #tpu.memory_space<vmem>>, vector<16xf32>,
        tpu.vector_store %arg13[%swap3A_644, %swap3A_645], %mul3A_639 {strides = array<i32>} : memref<64x128xf32, #tpu.memory_space<vmem>>, vector<16xf32>,
        %mul3A_647 = arith.constant 8.000000e+00 : f32
        %mul3A_648 = vector.broadcast %mul3A_647 : f32 to vector<16xf32>
        %mul3A_649 = arith.mulf %gather3A_555, %mul3A_648 : vector<16xf32>
        %mul3A_650 = arith.constant 2 : i32
        %mul3A_651 = arith.muli %mul3A_650, %scan3A_531 : i32
        %add3A_652 = arith.constant 0 : i32
        %add3A_653 = arith.addi %mul3A_651, %add3A_652 : i32
        %swap3A_654 = arith.index_cast %add3A_653 : i32 to index
        %swap3A_655 = arith.constant 96 : index
        %swap3A_656 = tpu.vector_load %arg13[%swap3A_654, %swap3A_655] {strides = array<i32>} : memref<64x128xf32, #tpu.memory_space<vmem>>, vector<16xf32>,
        tpu.vector_store %arg13[%swap3A_654, %swap3A_655], %mul3A_649 {strides = array<i32>} : memref<64x128xf32, #tpu.memory_space<vmem>>, vector<16xf32>,
        %mul3A_657 = arith.constant 8.000000e+00 : f32
        %mul3A_658 = vector.broadcast %mul3A_657 : f32 to vector<16xf32>
        %mul3A_659 = arith.mulf %gather3A_558, %mul3A_658 : vector<16xf32>
        %mul3A_660 = arith.constant 2 : i32
        %mul3A_661 = arith.muli %mul3A_660, %scan3A_531 : i32
        %add3A_662 = arith.constant 0 : i32
        %add3A_663 = arith.addi %mul3A_661, %add3A_662 : i32
        %swap3A_664 = arith.index_cast %add3A_663 : i32 to index
        %swap3A_665 = arith.constant 112 : index
        %swap3A_666 = tpu.vector_load %arg13[%swap3A_664, %swap3A_665] {strides = array<i32>} : memref<64x128xf32, #tpu.memory_space<vmem>>, vector<16xf32>,
        tpu.vector_store %arg13[%swap3A_664, %swap3A_665], %mul3A_659 {strides = array<i32>} : memref<64x128xf32, #tpu.memory_space<vmem>>, vector<16xf32>,
        %mul3A_667 = arith.constant 8.000000e+00 : f32
        %mul3A_668 = vector.broadcast %mul3A_667 : f32 to vector<16xf32>
        %mul3A_669 = arith.mulf %gather3A_565, %mul3A_668 : vector<16xf32>
        %mul3A_670 = arith.constant 2 : i32
        %mul3A_671 = arith.muli %mul3A_670, %scan3A_531 : i32
        %add3A_672 = arith.constant 1 : i32
        %add3A_673 = arith.addi %mul3A_671, %add3A_672 : i32
        %swap3A_674 = arith.index_cast %add3A_673 : i32 to index
        %swap3A_675 = arith.constant 0 : index
        %swap3A_676 = tpu.vector_load %arg13[%swap3A_674, %swap3A_675] {strides = array<i32>} : memref<64x128xf32, #tpu.memory_space<vmem>>, vector<16xf32>,
        tpu.vector_store %arg13[%swap3A_674, %swap3A_675], %mul3A_669 {strides = array<i32>} : memref<64x128xf32, #tpu.memory_space<vmem>>, vector<16xf32>,
        %mul3A_677 = arith.constant 8.000000e+00 : f32
        %mul3A_678 = vector.broadcast %mul3A_677 : f32 to vector<16xf32>
        %mul3A_679 = arith.mulf %gather3A_568, %mul3A_678 : vector<16xf32>
        %mul3A_680 = arith.constant 2 : i32
        %mul3A_681 = arith.muli %mul3A_680, %scan3A_531 : i32
        %add3A_682 = arith.constant 1 : i32
        %add3A_683 = arith.addi %mul3A_681, %add3A_682 : i32
        %swap3A_684 = arith.index_cast %add3A_683 : i32 to index
        %swap3A_685 = arith.constant 16 : index
        %swap3A_686 = tpu.vector_load %arg13[%swap3A_684, %swap3A_685] {strides = array<i32>} : memref<64x128xf32, #tpu.memory_space<vmem>>, vector<16xf32>,
        tpu.vector_store %arg13[%swap3A_684, %swap3A_685], %mul3A_679 {strides = array<i32>} : memref<64x128xf32, #tpu.memory_space<vmem>>, vector<16xf32>,
        %mul3A_687 = arith.constant 8.000000e+00 : f32
        %mul3A_688 = vector.broadcast %mul3A_687 : f32 to vector<16xf32>
        %mul3A_689 = arith.mulf %gather3A_571, %mul3A_688 : vector<16xf32>
        %mul3A_690 = arith.constant 2 : i32
        %mul3A_691 = arith.muli %mul3A_690, %scan3A_531 : i32
        %add3A_692 = arith.constant 1 : i32
        %add3A_693 = arith.addi %mul3A_691, %add3A_692 : i32
        %swap3A_694 = arith.index_cast %add3A_693 : i32 to index
        %swap3A_695 = arith.constant 32 : index
        %swap3A_696 = tpu.vector_load %arg13[%swap3A_694, %swap3A_695] {strides = array<i32>} : memref<64x128xf32, #tpu.memory_space<vmem>>, vector<16xf32>,
        tpu.vector_store %arg13[%swap3A_694, %swap3A_695], %mul3A_689 {strides = array<i32>} : memref<64x128xf32, #tpu.memory_space<vmem>>, vector<16xf32>,
        %mul3A_697 = arith.constant 8.000000e+00 : f32
        %mul3A_698 = vector.broadcast %mul3A_697 : f32 to vector<16xf32>
        %mul3A_699 = arith.mulf %gather3A_574, %mul3A_698 : vector<16xf32>
        %mul3A_700 = arith.constant 2 : i32
        %mul3A_701 = arith.muli %mul3A_700, %scan3A_531 : i32
        %add3A_702 = arith.constant 1 : i32
        %add3A_703 = arith.addi %mul3A_701, %add3A_702 : i32
        %swap3A_704 = arith.index_cast %add3A_703 : i32 to index
        %swap3A_705 = arith.constant 48 : index
        %swap3A_706 = tpu.vector_load %arg13[%swap3A_704, %swap3A_705] {strides = array<i32>} : memref<64x128xf32, #tpu.memory_space<vmem>>, vector<16xf32>,
        tpu.vector_store %arg13[%swap3A_704, %swap3A_705], %mul3A_699 {strides = array<i32>} : memref<64x128xf32, #tpu.memory_space<vmem>>, vector<16xf32>,
        %mul3A_707 = arith.constant 8.000000e+00 : f32
        %mul3A_708 = vector.broadcast %mul3A_707 : f32 to vector<16xf32>
        %mul3A_709 = arith.mulf %gather3A_577, %mul3A_708 : vector<16xf32>
        %mul3A_710 = arith.constant 2 : i32
        %mul3A_711 = arith.muli %mul3A_710, %scan3A_531 : i32
        %add3A_712 = arith.constant 1 : i32
        %add3A_713 = arith.addi %mul3A_711, %add3A_712 : i32
        %swap3A_714 = arith.index_cast %add3A_713 : i32 to index
        %swap3A_715 = arith.constant 64 : index
        %swap3A_716 = tpu.vector_load %arg13[%swap3A_714, %swap3A_715] {strides = array<i32>} : memref<64x128xf32, #tpu.memory_space<vmem>>, vector<16xf32>,
        tpu.vector_store %arg13[%swap3A_714, %swap3A_715], %mul3A_709 {strides = array<i32>} : memref<64x128xf32, #tpu.memory_space<vmem>>, vector<16xf32>,
        %mul3A_717 = arith.constant 8.000000e+00 : f32
        %mul3A_718 = vector.broadcast %mul3A_717 : f32 to vector<16xf32>
        %mul3A_719 = arith.mulf %gather3A_580, %mul3A_718 : vector<16xf32>
        %mul3A_720 = arith.constant 2 : i32
        %mul3A_721 = arith.muli %mul3A_720, %scan3A_531 : i32
        %add3A_722 = arith.constant 1 : i32
        %add3A_723 = arith.addi %mul3A_721, %add3A_722 : i32
        %swap3A_724 = arith.index_cast %add3A_723 : i32 to index
        %swap3A_725 = arith.constant 80 : index
        %swap3A_726 = tpu.vector_load %arg13[%swap3A_724, %swap3A_725] {strides = array<i32>} : memref<64x128xf32, #tpu.memory_space<vmem>>, vector<16xf32>,
        tpu.vector_store %arg13[%swap3A_724, %swap3A_725], %mul3A_719 {strides = array<i32>} : memref<64x128xf32, #tpu.memory_space<vmem>>, vector<16xf32>,
        %mul3A_727 = arith.constant 8.000000e+00 : f32
        %mul3A_728 = vector.broadcast %mul3A_727 : f32 to vector<16xf32>
        %mul3A_729 = arith.mulf %gather3A_583, %mul3A_728 : vector<16xf32>
        %mul3A_730 = arith.constant 2 : i32
        %mul3A_731 = arith.muli %mul3A_730, %scan3A_531 : i32
        %add3A_732 = arith.constant 1 : i32
        %add3A_733 = arith.addi %mul3A_731, %add3A_732 : i32
        %swap3A_734 = arith.index_cast %add3A_733 : i32 to index
        %swap3A_735 = arith.constant 96 : index
        %swap3A_736 = tpu.vector_load %arg13[%swap3A_734, %swap3A_735] {strides = array<i32>} : memref<64x128xf32, #tpu.memory_space<vmem>>, vector<16xf32>,
        tpu.vector_store %arg13[%swap3A_734, %swap3A_735], %mul3A_729 {strides = array<i32>} : memref<64x128xf32, #tpu.memory_space<vmem>>, vector<16xf32>,
        %mul3A_737 = arith.constant 8.000000e+00 : f32
        %mul3A_738 = vector.broadcast %mul3A_737 : f32 to vector<16xf32>
        %mul3A_739 = arith.mulf %gather3A_586, %mul3A_738 : vector<16xf32>
        %mul3A_740 = arith.constant 2 : i32
        %mul3A_741 = arith.muli %mul3A_740, %scan3A_531 : i32
        %add3A_742 = arith.constant 1 : i32
        %add3A_743 = arith.addi %mul3A_741, %add3A_742 : i32
        %swap3A_744 = arith.index_cast %add3A_743 : i32 to index
        %swap3A_745 = arith.constant 112 : index
        %swap3A_746 = tpu.vector_load %arg13[%swap3A_744, %swap3A_745] {strides = array<i32>} : memref<64x128xf32, #tpu.memory_space<vmem>>, vector<16xf32>,
        tpu.vector_store %arg13[%swap3A_744, %swap3A_745], %mul3A_739 {strides = array<i32>} : memref<64x128xf32, #tpu.memory_space<vmem>>, vector<16xf32>,
      }
      %scan3A_524 = arith.constant 32 : i32
      %dma_start3A_525 = arith.constant 0 : i32
      %dma_start3A_526 = tpu.memref_slice %arg4[%add3A_426, %dma_start3A_525, %multiple_of3A] : memref<200x64x4096xf32, #tpu.memory_space<hbm>> -> memref<1x64x128xf32, #tpu.memory_space<hbm>>
      %dma_start3A_527 = tpu.memref_squeeze %dma_start3A_526 : memref<1x64x128xf32, #tpu.memory_space<hbm>> -> memref<64x128xf32, #tpu.memory_space<hbm>>
      %dma_start3A_528 = arith.constant 0 : i32
      %dma_start3A_529 = tpu.memref_slice %arg4[%add3A_426, %dma_start3A_528, %multiple_of3A] : memref<200x64x4096xf32, #tpu.memory_space<hbm>> -> memref<1x64x128xf32, #tpu.memory_space<hbm>>
      %dma_start3A_530 = tpu.memref_squeeze %dma_start3A_529 : memref<1x64x128xf32, #tpu.memory_space<hbm>> -> memref<64x128xf32, #tpu.memory_space<hbm>>
      tpu.enqueue_dma source(%arg13 : memref<64x128xf32, #tpu.memory_space<vmem>>) target(%dma_start3A_530 : memref<64x128xf32, #tpu.memory_space<hbm>>) target_semaphore(%arg17 : memref<!tpu.dma_semaphore, #tpu.memory_space<semaphore_mem>>)
    }
    %scan3A_304 = arith.constant 100 : i32
    %dma_wait3A = arith.constant 198 : i32
    %dma_wait3A_305 = arith.constant 0 : i32
    %dma_wait3A_306 = tpu.memref_slice %arg4[%dma_wait3A, %dma_wait3A_305, %multiple_of3A] : memref<200x64x4096xf32, #tpu.memory_space<hbm>> -> memref<1x64x128xf32, #tpu.memory_space<hbm>>
    %dma_wait3A_307 = tpu.memref_squeeze %dma_wait3A_306 : memref<1x64x128xf32, #tpu.memory_space<hbm>> -> memref<64x128xf32, #tpu.memory_space<hbm>>
    %dma_wait3A_308 = arith.constant 0 : i32
    %dma_wait3A_309 = tpu.memref_slice %arg4[%dma_wait3A, %dma_wait3A_308, %multiple_of3A] : memref<200x64x4096xf32, #tpu.memory_space<hbm>> -> memref<1x64x128xf32, #tpu.memory_space<hbm>>
    %dma_wait3A_310 = tpu.memref_squeeze %dma_wait3A_309 : memref<1x64x128xf32, #tpu.memory_space<hbm>> -> memref<64x128xf32, #tpu.memory_space<hbm>>
    tpu.wait_dma2 semaphore(%arg16 : memref<!tpu.dma_semaphore, #tpu.memory_space<semaphore_mem>>) src(%arg12 : memref<64x128xf32, #tpu.memory_space<vmem>>) dst(%dma_wait3A_310 : memref<64x128xf32, #tpu.memory_space<hbm>>)
    %dma_wait3A_311 = arith.constant 199 : i32
    %dma_wait3A_312 = arith.constant 0 : i32
    %dma_wait3A_313 = tpu.memref_slice %arg4[%dma_wait3A_311, %dma_wait3A_312, %multiple_of3A] : memref<200x64x4096xf32, #tpu.memory_space<hbm>> -> memref<1x64x128xf32, #tpu.memory_space<hbm>>
    %dma_wait3A_314 = tpu.memref_squeeze %dma_wait3A_313 : memref<1x64x128xf32, #tpu.memory_space<hbm>> -> memref<64x128xf32, #tpu.memory_space<hbm>>
    %dma_wait3A_315 = arith.constant 0 : i32
    %dma_wait3A_316 = tpu.memref_slice %arg4[%dma_wait3A_311, %dma_wait3A_315, %multiple_of3A] : memref<200x64x4096xf32, #tpu.memory_space<hbm>> -> memref<1x64x128xf32, #tpu.memory_space<hbm>>
    %dma_wait3A_317 = tpu.memref_squeeze %dma_wait3A_316 : memref<1x64x128xf32, #tpu.memory_space<hbm>> -> memref<64x128xf32, #tpu.memory_space<hbm>>
    tpu.wait_dma2 semaphore(%arg17 : memref<!tpu.dma_semaphore, #tpu.memory_space<semaphore_mem>>) src(%arg13 : memref<64x128xf32, #tpu.memory_space<vmem>>) dst(%dma_wait3A_317 : memref<64x128xf32, #tpu.memory_space<hbm>>)
    return
  }
}

module attributes {stable_mosaic.version = 14 : i64} {
  func.func @_tr_body(%arg0: i32, %arg1: memref<64x8192xf32, #tpu.memory_space<vmem>>, %arg2: memref<4096x128xf32, #tpu.memory_space<vmem>>) attributes {dimension_semantics = [#tpu.dimension_semantics<arbitrary>], iteration_bounds = array<i64: 123>, scalar_prefetch = 0 : i64, scratch_operands = 0 : i64, tpu.core_type = #tpu.core_type<tc>, window_params = [{transform_indices = @transform_0, window_bounds = array<i64: 64, 8192>}, {transform_indices = @transform_1, window_bounds = array<i64: 4096, 128>}]} {
    %get3A = arith.constant 0 : index
    %get3A_0 = arith.constant 0 : index
    %get3A_1 = vector.load %arg1[%get3A, %get3A_0] : memref<64x8192xf32, #tpu.memory_space<vmem>>, vector<64x8192xf32>
    %slice3A = vector.extract_strided_slice %get3A_1 {offsets = [0, 0], sizes = [64, 4096], strides = [1, 1]} : vector<64x8192xf32> to vector<64x4096xf32>
    %transpose3A = tpu.transpose %slice3A, [1, 0] : vector<64x4096xf32> -> vector<4096x64xf32>
    %swap3A = arith.constant 0 : index
    %swap3A_2 = arith.constant 0 : index
    %swap3A_3 = vector.load %arg2[%swap3A, %swap3A_2] : memref<4096x128xf32, #tpu.memory_space<vmem>>, vector<4096x64xf32>
    tpu.vector_store %arg2[%swap3A, %swap3A_2], %transpose3A {strides = array<i32>} : memref<4096x128xf32, #tpu.memory_space<vmem>>, vector<4096x64xf32>,
    %slice3A_4 = vector.extract_strided_slice %get3A_1 {offsets = [0, 4096], sizes = [64, 4096], strides = [1, 1]} : vector<64x8192xf32> to vector<64x4096xf32>
    %transpose3A_5 = tpu.transpose %slice3A_4, [1, 0] : vector<64x4096xf32> -> vector<4096x64xf32>
    %swap3A_6 = arith.constant 0 : index
    %swap3A_7 = arith.constant 64 : index
    %swap3A_8 = vector.load %arg2[%swap3A_6, %swap3A_7] : memref<4096x128xf32, #tpu.memory_space<vmem>>, vector<4096x64xf32>
    tpu.vector_store %arg2[%swap3A_6, %swap3A_7], %transpose3A_5 {strides = array<i32>} : memref<4096x128xf32, #tpu.memory_space<vmem>>, vector<4096x64xf32>,
    return
  }
  func.func @transform_0(%arg0: i32) -> (i32, i32) {
    %c0_i32 = arith.constant 0 : i32
    %c0_i32_0 = arith.constant 0 : i32
    return %c0_i32, %arg0 : i32, i32
  }
  func.func @transform_1(%arg0: i32) -> (i32, i32) {
    %c0_i32 = arith.constant 0 : i32
    %c0_i32_0 = arith.constant 0 : i32
    return %arg0, %c0_i32 : i32, i32
  }
}

</mosaic_0001>

<sc_bundles>
// kernel: kernel.4.cloned.1.call-start
scs
__scs_entry_jumppad:
0x0: {  	(pc) =	sbr.rel $0x88, $3  }
0x1: {  	(tag) =	ssettag $0x0;
	lr =	simm.s32 $0x1  }
0x2: {  	[smem:$0x3F9F] =	sst lr;
	_ =	strace $0xD0000000  }
0x3: {  	_ = 	snop  }
0x4: {  	_ = 	snop  }
0x5: {  	_ = 	snop  }
0x6: {  	_ = 	snop  }
0x7: {  	_ = 	snop  }
__scs_overlays_trampoline_lowered:
0x8: {  	[smem:$0x3FAE] =	sst s0  }
0x9: {  	[smem:$0x3FAF] =	sst s1  }
0xa: {  	[smem:$0x3FB0] =	sst s2  }
0xb: {  	[smem:$0x3FB1] =	sst s3  }
0xc: {  	[smem:$0x3FB2] =	sst s4  }
0xd: {  	[smem:$0x3FB3] =	sst s5  }
0xe: {  	[smem:$0x3FB4] =	sst s6  }
0xf: {  	[smem:$0x3FB5] =	sst s7  }
0x10: {  	[smem:$0x3FB6] =	sst s8  }
0x11: {  	[smem:$0x3FB7] =	sst s9;
	s0 =	simm.s32 @!p0 $0x0  }
0x12: {  	s1 =	sld [smem:$0x3F9D];
	s0 =	simm.s32 @p0 $0x1  }
0x13: {  	[smem:$0x3FB8] =	sst s0;
	s0 =	simm.s32 @!p1 $0x0  }
0x14: {  	s2 =	sld [smem:$0x3F9C];
	s0 =	simm.s32 @p1 $0x1  }
0x15: {  	[smem:$0x3FB9] =	sst s0;
	s0 =	simm.s32 @!p2 $0x0  }
0x16: {  	s3 =	sld [smem:$0x3FDB];
	s0 =	simm.s32 @p2 $0x1  }
0x17: {  	s4 =	simm.s32 $0x1BF5;
	[smem:$0x3FBB] =	sst s0  }
0x18: {  	s0 =	sld [smem:$0x3F9E];
	_ =	swait.ge [sflag:s4], $0x0  }
0x19: {  	s7 =	sld [smem:$0x3F9F]  }
0x1a: {  	s8 =	sadd.s32 $0xFFFFE003, lr  }
0x1b: {  	s9 =	sadd.s32 $0xFFFFFEF7, lr;
	s5 =	simm.s32 $0xFFFFFFFF;
	p2 =	slt.u32 s8, $0xFFFFF086  }
0x1c: {  	p1 =	slt.u32 s9, $0xF7A;
	s5 =	simm.s32 @!p2 $0x0  }
0x1d: {  	s5 =	simm.s32 @p1 $0x1;
	p0 =	seq.s32 s7, s2  }
0x1e: {  	s7 =	smul.u32 @!p0 $0xF7A, s2;
	p2 =	seq.s32 @!p0 s5, $0x0  }
0x1f: {  	s9 =	smul.u32 $0xF7A, s1;
	s8 =	simm.s32 @!p0 $0x1BF5;
	p2 =	por !p2, p0  }
0x20: {  	[sflag:s8] =	ssyncset.s32 @!p0 $0xFFFFF086;
	s6 =	sadd.s32 @!p0 s3, s7;
	s7 =	simm.s32 @!p0 $0x108  }
0x21: {  	s3 =	sadd.s32 s3, s9;
	s6 =	sadd.s32 @!p0 $0x88, s6;
	s7 =	simm.s32 @p2 $0x1082  }
0x22: {  	[simem:s7], [sflag:s8] =	dma.local @!p0 [hbm:s6], $0xF7A  }
0x23: {  	s9 =	sor.u32 $0xD0000000, s2;
	s6 =	simm.s32 $0x108;
	_ =	swait.ge @!p0 [sflag:s8], $0x0  }
0x24: {  	s3 =	sadd.s32 $0x88, s3;
	s6 =	simm.s32 @!p1 $0x1082;
	[sflag:s4] =	ssyncset.s32 $0xFFFFF086  }
0x25: {  	[simem:s6], [sflag:s4] =	dma.local [hbm:s3], $0xF7A  }
0x26: {  	[smem:$0x3F9F] =	sst s1;
	(tag) =	ssettag s2;
	_ =	strace s9  }
0x27: {  	s1 =	sld [smem:$0x3FAF]  }
0x28: {  	s2 =	sld [smem:$0x3FB0]  }
0x29: {  	s4 =	sld [smem:$0x3FB2]  }
0x2a: {  	p0 =	seq.s32 s5, $0x0;
	s5 =	sld [smem:$0x3FB3]  }
0x2b: {  	s6 =	sld [smem:$0x3FB4]  }
0x2c: {  	s7 =	sld [smem:$0x3FB5]  }
0x2d: {  	s3 =	simm.s32 $0x108;
	s8 =	sld [smem:$0x3FB6]  }
0x2e: {  	s3 =	simm.s32 @!p0 $0x1082;
	s9 =	sld [smem:$0x3FB7]  }
0x2f: {  	lr =	sadd.s32 s0, s3;
	s0 =	sld [smem:$0x3FAE]  }
0x30: {  	s3 =	sld [smem:$0x3FB1]  }
0x31: {  	[smem:$0x3FBA] =	sst s10  }
0x32: {  	s10 =	sld [smem:$0x3FB8];
	_ =	sdelay $0x3  }
0x33: {  	p0 =	seq.s32 s10, $0x1;
	s10 =	sld [smem:$0x3FBA];
	_ =	sdelay $0x3  }
0x34: {  	[smem:$0x3FBA] =	sst s10  }
0x35: {  	s10 =	sld [smem:$0x3FB9];
	_ =	sdelay $0x3  }
0x36: {  	p1 =	seq.s32 s10, $0x1;
	s10 =	sld [smem:$0x3FBA];
	_ =	sdelay $0x3  }
0x37: {  	[smem:$0x3FBA] =	sst s10  }
0x38: {  	s10 =	sld [smem:$0x3FBB]  }
0x39: {  	_ = 	snop;
	(pc) =	sbr.ind lr, $3  }
0x3a: {  	_ = 	snop  }
0x3b: {  	_ = 	snop  }
0x3c: {  	p2 =	seq.s32 s10, $0x1;
	s10 =	sld [smem:$0x3FBA]  }
0x3d: {  	_ =	shalt  }
0x3e: {  	_ =	shalt  }
0x3f: {  	_ =	shalt  }
0x40: {  	_ =	shalt  }
0x41: {  	_ =	shalt  }
0x42: {  	_ =	shalt  }
0x43: {  	_ =	shalt  }
0x44: {  	_ =	shalt  }
0x45: {  	_ =	shalt  }
0x46: {  	_ =	shalt  }
0x47: {  	_ =	shalt  }
0x48: {  	_ =	shalt  }
0x49: {  	_ =	shalt  }
0x4a: {  	_ =	shalt  }
0x4b: {  	_ =	shalt  }
0x4c: {  	_ =	shalt  }
0x4d: {  	_ =	shalt  }
0x4e: {  	_ =	shalt  }
0x4f: {  	_ =	shalt  }
0x50: {  	_ =	shalt  }
0x51: {  	_ =	shalt  }
0x52: {  	_ =	shalt  }
0x53: {  	_ =	shalt  }
0x54: {  	_ =	shalt  }
0x55: {  	_ =	shalt  }
0x56: {  	_ =	shalt  }
0x57: {  	_ =	shalt  }
0x58: {  	_ =	shalt  }
0x59: {  	_ =	shalt  }
0x5a: {  	_ =	shalt  }
0x5b: {  	_ =	shalt  }
0x5c: {  	_ =	shalt  }
0x5d: {  	_ =	shalt  }
0x5e: {  	_ =	shalt  }
0x5f: {  	_ =	shalt  }
0x60: {  	_ =	shalt  }
0x61: {  	_ =	shalt  }
0x62: {  	_ =	shalt  }
0x63: {  	_ =	shalt  }
0x64: {  	_ =	shalt  }
0x65: {  	_ =	shalt  }
0x66: {  	_ =	shalt  }
0x67: {  	_ =	shalt  }
0x68: {  	_ =	shalt  }
0x69: {  	_ =	shalt  }
0x6a: {  	_ =	shalt  }
0x6b: {  	_ =	shalt  }
0x6c: {  	_ =	shalt  }
0x6d: {  	_ =	shalt  }
0x6e: {  	_ =	shalt  }
0x6f: {  	_ =	shalt  }
0x70: {  	_ =	shalt  }
0x71: {  	_ =	shalt  }
0x72: {  	_ =	shalt  }
0x73: {  	_ =	shalt  }
0x74: {  	_ =	shalt  }
0x75: {  	_ =	shalt  }
0x76: {  	_ =	shalt  }
0x77: {  	_ =	shalt  }
0x78: {  	_ =	shalt  }
0x79: {  	_ =	shalt  }
0x7a: {  	_ =	shalt  }
0x7b: {  	_ =	shalt  }
0x7c: {  	_ =	shalt  }
0x7d: {  	_ =	shalt  }
0x7e: {  	_ =	shalt  }
0x7f: {  	_ =	shalt  }
0x80: {  	_ =	shalt  }
0x81: {  	_ =	shalt  }
0x82: {  	_ =	shalt  }
0x83: {  	_ =	shalt  }
0x84: {  	_ =	shalt  }
0x85: {  	_ =	shalt  }
0x86: {  	_ =	shalt  }
0x87: {  	_ =	shalt  }
.Lfunc_end0:
.L_simem_size_0:
called_computation_lowered:
.L_overlay_start_0:
0x88: {  	s2 =	sld [smem:$0x3FD9]  }
0x89: {  	s3 =	sld [smem:$0x3FFE];
	_ =	sdelay $0x1  }
0x8a: {  	s1 =	srdreg.scid  }
0x8b: {  	s0 =	sand.u32 $0x1, s1  }
0x8c: {  	s17 =	sshll.u32 s0, $0xA;
	s2 =	sadd.s32 s3, s2  }
0x8d: {  	s2 =	sadd.s32 s2, s17  }
0x8e: {  	[smem:$0x3FC6] =	sst s2  }
0x8f: {  	_ = 	snop  }
0x90: {  	s2 =	sld [smem:$0x3FC9]  }
0x91: {  	s18 =	sld [smem:$0x3FD0];
	(tm) =	ssettm $0x1  }
0x92: {  	s4 =	sld [smem:$0x3FFB];
	_ =	sdelay $0x3  }
0x93: {  	_ =	strace s4  }
0x94: {  	s4 =	sld [smem:$0x3FFC];
	_ =	sdelay $0x3  }
0x95: {  	_ =	strace s4  }
0x96: {  	s4 =	sld [smem:$0x3FFD];
	_ =	sdelay $0x3  }
0x97: {  	_ =	strace s4  }
0x98: {  	_ =	strace $0x8FFFFFFF  }
0x99: {  	s19 =	sld [smem:$0x3FDB];
	_ =	sdelay $0x1  }
0x9a: {  	s5 =	simm.s32 $_scs_section_size  }
0x9b: {  	s6 =	simm.s32 $_size__tile_overlayer_lowered;
	s7 =	simm.s32 $_tile_overlayer_lowered  }
0x9c: {  	s22 =	simm.s32 $0x1BFF;
	s21 =	sshll.u32 s7, $0x1;
	s4 =	sadd.s32 s5, s19  }
0x9d: {  	s8 =	simm.s32 $0x0;
	s20 =	sshll.u32 s6, $0x1;
	s6 =	sadd.s32 s21, s4  }
0x9e: {  	[timem:s8], [sflag:s22] =	dma.local [hbm:s6], s20  }
0x9f: {  	_ =	swait.ge [sflag:s22], s20  }
0xa0: {  	s5 =	ssub.s32 $0x0, s20;
	[sflag:s22] =	ssyncset.done $0x0  }
0xa1: {  	[sflag:s22] =	ssyncadd.s32 s5;
	_ =	sdelay $0x1  }
0xa2: {  	s23 =	simm.s32 $0x1B8B  }
0xa3: {  	_ =	swait.ge [sflag:s23], $0x1  }
0xa4: {  	[sflag:s23] =	ssyncset.done $0x0  }
0xa5: {  	s25 =	simm.s32 $0x1B8E;
	s24 =	sld [smem:$0x3FFE];
	[sflag:s23] =	ssyncadd.s32 $0xFFFFFFFF  }
0xa6: {  	s26 =	simm.s32 $execute0_lowered;
	[smem:$0x3FD2] =	sst s25  }
0xa7: {  	s6 =	sshll.u32 s26, $0x1;
	_ =	strace $0x80000046;
	[dreg:$0x1] =	wrdreg $0xFFFFFFFF  }
0xa8: {  	s28 =	simm.s32 $_size_execute0_lowered;
	s4 =	sadd.s32 s4, s6;
	[dreg:$0x0] =	wrdreg $0x0  }
0xa9: {  	s6 =	sshll.u32 s28, $0x1;
	[dreg:$0x2] =	wrdreg s4  }
0xaa: {  	[dreg:$0x3] =	wrdreg s6  }
0xab: {  	[dreg:$0x4] =	wrdreg $0xC0  }
0xac: {  	_ =	task [dreg:s8], $0x5FFFF  }
0xad: {  	[dreg:$0x1] =	wrdreg $0xFFFFFFFF  }
0xae: {  	[dreg:$0x0] =	wrdreg $0x60  }
0xaf: {  	[dreg:$0x2] =	wrdreg s2  }
0xb0: {  	[dreg:$0x3] =	wrdreg s24  }
0xb1: {  	[dreg:$0x4] =	wrdreg s18  }
0xb2: {  	[dreg:$0x5] =	wrdreg $0x9  }
0xb3: {  	_ =	task.clear_ibuf [dreg:s8], $0x6FFFF;
	_ =	strace $0x90000046  }
0xb4: {  	s29 =	simm.s32 $0x9;
	_ =	strace $0x80000048  }
0xb5: {  	_ =	swait.ge [sflag:s29], $0x1  }
0xb6: {  	[sflag:s29] =	ssyncadd.s32 $0xFFFFFFFF  }
0xb7: {  	_ =	strace $0x90000048  }
0xb8: {  	_ =	sfence  }
0xb9: {  	s30 =	sld [smem:$0x0];
	_ =	sdelay $0x2  }
0xba: {  	s31 =	sshll.u32 s1, $0xD;
	s1 =	sshrl.u32 s1, $0x2  }
0xbb: {  	s3 =	sand.u32 $0x4000, s31;
	s1 =	sadd.s32 s1, s30  }
0xbc: {  	s0 =	sor.u32 s3, s0;
	s1 =	sshll.u32 s1, $0x11  }
0xbd: {  	s0 =	sor.u32 s1, s0  }
0xbe: {  	s0 =	sadd.s32 $0x8F2B, s0  }
0xbf: {  	[sflag:s0] =	ssyncadd.remote.s32 $0x1  }
0xc0: {  	_ =	sfence.sel $0xFFFF  }
0xc1: {  	[dreg:$0x0] =	wrdreg $0xFFFFFFFF;
	(pc) =	sbr.abs _section_cstart, $3  }
0xc2: {  	[dreg:$0x1] =	wrdreg $0xFFFFFFFF  }
0xc3: {  	_ =	task.clear_ibuf [dreg:s8], $0x2FFFF;
	_ =	strace $0x9FFFFFFF  }
0xc4: {  	(tm) =	ssettm $0x7FFFFFFF  }
0xc5: {  	_ =	shalt  }
tec
execute0_lowered:
.L_overlay_start_1:
0x0: {  	(tag) =	ssettag $0x1  }
0x1: {  	s0 =	rddreg [dreg:$0x0]  }
0x2: {  	s2 =	rddreg [dreg:$0x1]  }
0x3: {  	s1 =	rddreg [dreg:$0x2];
	s4 =	simm.s32 $0x0;
	s3 =	srdreg.scid  }
0x4: {  	s28 =	stileid.u32;
	s8 =	simm.s32 $0x400;
	s9 =	simm.s32 $0x8000  }
0x5: {  	s11 =	simm.s32 $0x10;
	s13 =	simm.s32 $0x6600;
	s30 =	simm.s32 $0xA600  }
0x6: {  	s10 =	simm.s32 $0x64C0;
	s12 =	simm.s32 $0xC600;
	s14 =	simm.s32 $0x64D0  }
0x7: {  	s15 =	simm.s32 $0xCE00;
	s16 =	simm.s32 $0x64E0;
	s17 =	simm.s32 $0xD600  }
0x8: {  	s18 =	simm.s32 $0x64F0;
	s19 =	simm.s32 $0xDE00;
	s20 =	simm.s32 $0x1  }
0x9: {  	s21 =	simm.s32 $0xE600;
	s22 =	simm.s32 $0x2;
	s23 =	simm.s32 $0x10600  }
0xa: {  	s26 =	simm.s32 $0x0;
	[smem:$0x7FF] =	sst s4;
	s3 =	sand.u32 $0x1, s3  }
0xb: {  	v0 =	vlaneseq.u32;
	s4 =	sshll.u32 s28, $0xB;
	s6 =	ssub.s32 $0x2, s3;
	s3 =	sshll.u32 s3, $0xA  }
0xc: {  	s5 =	sadd.s32 $0x400, s2;
	s2 =	simm.s32 $0x64A0;
	v0 =	vmul.u32 $0x80, v0;
	s4 =	sor.u32 s3, s4  }
0xd: {  	_ =	strace $0x80000047;
	s7 =	sshrl.u32 s6, $0x1;
	s3 =	sshrl.u32 s4, $0x3  }
0xe: {  	v1 =	vor.u32 $0x800, v0;
	s29 =	ssub.s32 s6, s7;
	s6 =	simm.s32 $0x64B0;
	s0 =	sadd.s32 s0, s3  }
0xf: {  	v2 =	vor.u32 $0x1000, v0;
	v3 =	vor.u32 $0x1800, v0;
	v4 =	vor.u32 $0x2000, v0;
	s7 =	simm.s32 $0xBE00;
	s31 =	smax.u32 s29, $0x1;
	[dreg:$0x4] =	wrdreg s0  }
0x10: {  	v5 =	vor.u32 $0x2800, v0;
	v6 =	vor.u32 $0x3000, v0;
	v7 =	vor.u32 $0x3800, v0;
	s3 =	simm.s32 $0xB600;
	[dreg:$0x5] =	wrdreg s31;
	s0 =	simm.s32 $0xAE00  }
.LBB2_1:
0x11: {  	[dreg:$0x6] =	wrdreg s26  }
0x12: {  	s24 =	simm.s32 $0x0;
	s25 =	rddreg [dreg:$0x4];
	s26 =	simm.s32 $0x5  }
0x13: {  	[tilespmem:s24], [sflag:$0x5] =	stream.strided.gather [hbm4b:s25+s8], $0x6400, s9, s8, $0x38;
	[tilespmem:$0x12600] =	vst v63  }
0x14: {  	_ =	swait.ge [sflag:s26], $0x6400  }
0x15: {  	[sflag:s26] =	ssyncset.done $0x0  }
0x16: {  	[sflag:s26] =	ssyncadd.s32 $0xFFFF9C00  }
0x17: {  	v8 =	vld [tilespmem:$0x0]  }
0x18: {  	v9 =	vld [tilespmem:$0x10];
	_ =	sdelay $0x1  }
0x19: {  	v10 =	vld [tilespmem:$0x20];
	_ =	sdelay $0x1  }
0x1a: {  	v13 =	vld [tilespmem:$0x30];
	v11 =	vshrl.u32 v8, $0x1;
	v12 =	vand.u32 $0xFFF, v8;
	v8 =	vshrl.u32 v8, $0x6  }
0x1b: {  	v34 =	vshrl.u32 v9, $0x1;
	v11 =	vand.u32 $0x7FFFF000, v11;
	v8 =	vand.u32 $0x40, v8  }
0x1c: {  	v14 =	vld [tilespmem:$0x40];
	v36 =	vand.u32 $0xFFF, v9;
	v35 =	vand.u32 $0x7FFFF000, v34;
	v11 =	vor.u32 v12, v11;
	[tilespmem:$0x6500] =	vst v8  }
0x1d: {  	v9 =	vshrl.u32 v9, $0x6;
	v37 =	vshrl.u32 v10, $0x1;
	v8 =	vor.u32 v36, v35;
	[tilespmem:$0x6400] =	vst v11  }
0x1e: {  	v40 =	vld [tilespmem:$0x50];
	v39 =	vand.u32 $0xFFF, v10;
	v38 =	vand.u32 $0x7FFFF000, v37;
	[tilespmem:$0x6410] =	vst v8;
	v8 =	vand.u32 $0x40, v9  }
0x1f: {  	v41 =	vshrl.u32 v10, $0x6;
	v42 =	vshrl.u32 v13, $0x1;
	[tilespmem:$0x6510] =	vst v8;
	v8 =	vor.u32 v39, v38  }
0x20: {  	v45 =	vld [tilespmem:$0x60];
	v44 =	vand.u32 $0xFFF, v13;
	v43 =	vand.u32 $0x7FFFF000, v42;
	[tilespmem:$0x6420] =	vst v8;
	v8 =	vand.u32 $0x40, v41  }
0x21: {  	v46 =	vshrl.u32 v13, $0x6;
	v47 =	vshrl.u32 v14, $0x1;
	[tilespmem:$0x6520] =	vst v8;
	v8 =	vor.u32 v44, v43  }
0x22: {  	v50 =	vld [tilespmem:$0x70];
	v49 =	vand.u32 $0xFFF, v14;
	v48 =	vand.u32 $0x7FFFF000, v47;
	[tilespmem:$0x6430] =	vst v8;
	v8 =	vand.u32 $0x40, v46  }
0x23: {  	v51 =	vshrl.u32 v14, $0x6;
	v52 =	vshrl.u32 v40, $0x1;
	[tilespmem:$0x6530] =	vst v8;
	v8 =	vor.u32 v49, v48  }
0x24: {  	v54 =	vand.u32 $0xFFF, v40;
	v53 =	vand.u32 $0x7FFFF000, v52;
	[tilespmem:$0x6440] =	vst v8;
	v8 =	vand.u32 $0x40, v51  }
0x25: {  	v55 =	vshrl.u32 v40, $0x6;
	v56 =	vshrl.u32 v45, $0x1;
	[tilespmem:$0x6540] =	vst v8;
	v8 =	vor.u32 v54, v53  }
0x26: {  	v58 =	vand.u32 $0xFFF, v45;
	v57 =	vand.u32 $0x7FFFF000, v56;
	[tilespmem:$0x6450] =	vst v8;
	v8 =	vand.u32 $0x40, v55  }
0x27: {  	v59 =	vshrl.u32 v45, $0x6;
	v60 =	vshrl.u32 v50, $0x1;
	[tilespmem:$0x6550] =	vst v8;
	v8 =	vor.u32 v58, v57  }
0x28: {  	v62 =	vand.u32 $0xFFF, v50;
	v61 =	vand.u32 $0x7FFFF000, v60;
	[tilespmem:$0x6460] =	vst v8;
	v8 =	vand.u32 $0x40, v59  }
0x29: {  	v63 =	vshrl.u32 v50, $0x6;
	[tilespmem:$0x6560] =	vst v8;
	v8 =	vor.u32 v62, v61  }
0x2a: {  	[tilespmem:$0x6470] =	vst v8;
	v8 =	vand.u32 $0x40, v63  }
0x2b: {  	s28 =	simm.s32 $0x6400;
	[tilespmem:$0x6570] =	vst v8  }
0x2c: {  	[tilespmem:s13], [sflag:$0x1] =	stream.indirect.gather [hbm4b:s5+s11], $0x80, s28, s11, $0xb8;
	[tilespmem:$0x12600] =	vst v63  }
0x2d: {  	s29 =	simm.s32 $0x6410;
	s31 =	simm.s32 $0x6E00  }
0x2e: {  	[tilespmem:s31], [sflag:$0x1] =	stream.indirect.gather [hbm4b:s5+s11], $0x80, s29, s11, $0xb8;
	[tilespmem:$0x12600] =	vst v63  }
0x2f: {  	s26 =	simm.s32 $0x6420;
	s28 =	simm.s32 $0x7600  }
0x30: {  	[tilespmem:s28], [sflag:$0x1] =	stream.indirect.gather [hbm4b:s5+s11], $0x80, s26, s11, $0xb8;
	[tilespmem:$0x12600] =	vst v63  }
0x31: {  	s29 =	simm.s32 $0x6430;
	s31 =	simm.s32 $0x7E00  }
0x32: {  	[tilespmem:s31], [sflag:$0x1] =	stream.indirect.gather [hbm4b:s5+s11], $0x80, s29, s11, $0xb8;
	[tilespmem:$0x12600] =	vst v63  }
0x33: {  	s26 =	simm.s32 $0x6440;
	s28 =	simm.s32 $0x8600  }
0x34: {  	[tilespmem:s28], [sflag:$0x1] =	stream.indirect.gather [hbm4b:s5+s11], $0x80, s26, s11, $0xb8;
	[tilespmem:$0x12600] =	vst v63  }
0x35: {  	s29 =	simm.s32 $0x6450;
	s31 =	simm.s32 $0x8E00  }
0x36: {  	[tilespmem:s31], [sflag:$0x1] =	stream.indirect.gather [hbm4b:s5+s11], $0x80, s29, s11, $0xb8;
	[tilespmem:$0x12600] =	vst v63  }
0x37: {  	s26 =	simm.s32 $0x6460;
	s28 =	simm.s32 $0x9600  }
0x38: {  	[tilespmem:s28], [sflag:$0x1] =	stream.indirect.gather [hbm4b:s5+s11], $0x80, s26, s11, $0xb8;
	[tilespmem:$0x12600] =	vst v63  }
0x39: {  	s24 =	simm.s32 $0x0;
	s29 =	simm.s32 $0x6470;
	s31 =	simm.s32 $0x9E00  }
0x3a: {  	[tilespmem:s31], [sflag:$0x1] =	stream.indirect.gather [hbm4b:s5+s11], $0x80, s29, s11, $0xb8;
	[tilespmem:$0x12600] =	vst v63  }
.LBB2_2:
0x3b: {  	s25 =	sshllo.u32 s24, $0x1  }
0x3c: {  	s26 =	sshll.u32 s25, $0x7  }
0x3d: {  	s26 =	sand.u32 $0x3FFFFF80, s26  }
0x3e: {  	v8 =	vld [tilespmem:s26+$0x0];
	_ =	sdelay $0x4  }
0x3f: {  	v9 =	vshrl.u32 v8, $0x1;
	v10 =	vand.u32 $0xFFF, v8;
	v8 =	vshrl.u32 v8, $0x6  }
0x40: {  	v9 =	vand.u32 $0x7FFFF000, v9;
	v8 =	vand.u32 $0x40, v8  }
0x41: {  	v9 =	vor.u32 v10, v9;
	[tilespmem:$0x6580] =	vst v8  }
0x42: {  	[tilespmem:$0x6480] =	vst v9  }
0x43: {  	v8 =	vld [tilespmem:s26+$0x10];
	_ =	sdelay $0x4  }
0x44: {  	v9 =	vshrl.u32 v8, $0x1;
	v10 =	vand.u32 $0xFFF, v8;
	v8 =	vshrl.u32 v8, $0x6  }
0x45: {  	v9 =	vand.u32 $0x7FFFF000, v9;
	v8 =	vand.u32 $0x40, v8  }
0x46: {  	v9 =	vor.u32 v10, v9;
	[tilespmem:$0x6590] =	vst v8  }
0x47: {  	[tilespmem:$0x6490] =	vst v9  }
0x48: {  	v8 =	vld [tilespmem:s26+$0x20];
	_ =	sdelay $0x4  }
0x49: {  	v9 =	vshrl.u32 v8, $0x1;
	v10 =	vand.u32 $0xFFF, v8;
	v8 =	vshrl.u32 v8, $0x6  }
0x4a: {  	v9 =	vand.u32 $0x7FFFF000, v9;
	v8 =	vand.u32 $0x40, v8  }
0x4b: {  	v9 =	vor.u32 v10, v9;
	[tilespmem:$0x65A0] =	vst v8  }
0x4c: {  	[tilespmem:$0x64A0] =	vst v9  }
0x4d: {  	v8 =	vld [tilespmem:s26+$0x30];
	_ =	sdelay $0x4  }
0x4e: {  	v9 =	vshrl.u32 v8, $0x1;
	v10 =	vand.u32 $0xFFF, v8;
	v8 =	vshrl.u32 v8, $0x6  }
0x4f: {  	v9 =	vand.u32 $0x7FFFF000, v9;
	v8 =	vand.u32 $0x40, v8  }
0x50: {  	v9 =	vor.u32 v10, v9;
	[tilespmem:$0x65B0] =	vst v8  }
0x51: {  	[tilespmem:$0x64B0] =	vst v9  }
0x52: {  	v8 =	vld [tilespmem:s26+$0x40];
	_ =	sdelay $0x4  }
0x53: {  	v9 =	vshrl.u32 v8, $0x1;
	v10 =	vand.u32 $0xFFF, v8;
	v8 =	vshrl.u32 v8, $0x6  }
0x54: {  	v9 =	vand.u32 $0x7FFFF000, v9;
	v8 =	vand.u32 $0x40, v8  }
0x55: {  	v9 =	vor.u32 v10, v9;
	[tilespmem:$0x65C0] =	vst v8  }
0x56: {  	[tilespmem:$0x64C0] =	vst v9  }
0x57: {  	v8 =	vld [tilespmem:s26+$0x50];
	_ =	sdelay $0x4  }
0x58: {  	v9 =	vshrl.u32 v8, $0x1;
	v10 =	vand.u32 $0xFFF, v8;
	v8 =	vshrl.u32 v8, $0x6  }
0x59: {  	v9 =	vand.u32 $0x7FFFF000, v9;
	v8 =	vand.u32 $0x40, v8  }
0x5a: {  	v9 =	vor.u32 v10, v9;
	[tilespmem:$0x65D0] =	vst v8  }
0x5b: {  	[tilespmem:$0x64D0] =	vst v9  }
0x5c: {  	v8 =	vld [tilespmem:s26+$0x60];
	_ =	sdelay $0x4  }
0x5d: {  	v9 =	vshrl.u32 v8, $0x1;
	v10 =	vand.u32 $0xFFF, v8;
	v8 =	vshrl.u32 v8, $0x6  }
0x5e: {  	v9 =	vand.u32 $0x7FFFF000, v9;
	v8 =	vand.u32 $0x40, v8  }
0x5f: {  	v9 =	vor.u32 v10, v9;
	[tilespmem:$0x65E0] =	vst v8  }
0x60: {  	[tilespmem:$0x64E0] =	vst v9  }
0x61: {  	v8 =	vld [tilespmem:s26+$0x70];
	_ =	sdelay $0x4  }
0x62: {  	v9 =	vshrl.u32 v8, $0x1;
	v10 =	vand.u32 $0xFFF, v8;
	v8 =	vshrl.u32 v8, $0x6  }
0x63: {  	v9 =	vand.u32 $0x7FFFF000, v9;
	v8 =	vand.u32 $0x40, v8  }
0x64: {  	v9 =	vor.u32 v10, v9;
	[tilespmem:$0x65F0] =	vst v8  }
0x65: {  	s26 =	simm.s32 $0x6480;
	[tilespmem:$0x64F0] =	vst v9  }
0x66: {  	[tilespmem:s30], [sflag:$0x2] =	stream.indirect.gather [hbm4b:s5+s11], $0x80, s26, s11, $0xb8;
	[tilespmem:$0x12600] =	vst v63  }
0x67: {  	s26 =	simm.s32 $0x6490  }
0x68: {  	[tilespmem:s0], [sflag:$0x2] =	stream.indirect.gather [hbm4b:s5+s11], $0x80, s26, s11, $0xb8;
	[tilespmem:$0x12600] =	vst v63  }
0x69: {  	_ = 	snop  }
0x6a: {  	[tilespmem:s3], [sflag:$0x2] =	stream.indirect.gather [hbm4b:s5+s11], $0x80, s2, s11, $0xb8;
	[tilespmem:$0x12600] =	vst v63  }
0x6b: {  	_ = 	snop  }
0x6c: {  	[tilespmem:s7], [sflag:$0x2] =	stream.indirect.gather [hbm4b:s5+s11], $0x80, s6, s11, $0xb8;
	[tilespmem:$0x12600] =	vst v63  }
0x6d: {  	_ = 	snop  }
0x6e: {  	[tilespmem:s12], [sflag:$0x2] =	stream.indirect.gather [hbm4b:s5+s11], $0x80, s10, s11, $0xb8;
	[tilespmem:$0x12600] =	vst v63  }
0x6f: {  	_ = 	snop  }
0x70: {  	[tilespmem:s15], [sflag:$0x2] =	stream.indirect.gather [hbm4b:s5+s11], $0x80, s14, s11, $0xb8;
	[tilespmem:$0x12600] =	vst v63  }
0x71: {  	_ = 	snop  }
0x72: {  	[tilespmem:s17], [sflag:$0x2] =	stream.indirect.gather [hbm4b:s5+s11], $0x80, s16, s11, $0xb8;
	[tilespmem:$0x12600] =	vst v63  }
0x73: {  	_ = 	snop  }
0x74: {  	[tilespmem:s19], [sflag:$0x2] =	stream.indirect.gather [hbm4b:s5+s11], $0x80, s18, s11, $0xb8;
	[tilespmem:$0x12600] =	vst v63  }
0x75: {  	_ =	swait.ge [sflag:s20], $0x800  }
0x76: {  	[sflag:s20] =	ssyncset.done $0x0  }
0x77: {  	[sflag:s20] =	ssyncadd.s32 $0xFFFFF800  }
0x78: {  	_ =	swait.ge [sflag:s20], $0x800  }
0x79: {  	[sflag:s20] =	ssyncset.done $0x0  }
0x7a: {  	[sflag:s20] =	ssyncadd.s32 $0xFFFFF800  }
0x7b: {  	_ =	swait.ge [sflag:s20], $0x800  }
0x7c: {  	[sflag:s20] =	ssyncset.done $0x0  }
0x7d: {  	[sflag:s20] =	ssyncadd.s32 $0xFFFFF800  }
0x7e: {  	_ =	swait.ge [sflag:s20], $0x800  }
0x7f: {  	[sflag:s20] =	ssyncset.done $0x0  }
0x80: {  	[sflag:s20] =	ssyncadd.s32 $0xFFFFF800  }
0x81: {  	_ =	swait.ge [sflag:s20], $0x800  }
0x82: {  	[sflag:s20] =	ssyncset.done $0x0  }
0x83: {  	[sflag:s20] =	ssyncadd.s32 $0xFFFFF800  }
0x84: {  	_ =	swait.ge [sflag:s20], $0x800  }
0x85: {  	[sflag:s20] =	ssyncset.done $0x0  }
0x86: {  	[sflag:s20] =	ssyncadd.s32 $0xFFFFF800  }
0x87: {  	_ =	swait.ge [sflag:s20], $0x800  }
0x88: {  	[sflag:s20] =	ssyncset.done $0x0  }
0x89: {  	[sflag:s20] =	ssyncadd.s32 $0xFFFFF800  }
0x8a: {  	_ =	swait.ge [sflag:s20], $0x800  }
0x8b: {  	p0 =	seq.s32 s24, $0x0;
	[sflag:s20] =	ssyncset.done $0x0  }
0x8c: {  	s26 =	simm.s32 @!p0 $0x3;
	[sflag:s20] =	ssyncadd.s32 $0xFFFFF800  }
0x8d: {  	_ =	swait.ge @!p0 [sflag:s26], $0x2000  }
0x8e: {  	[sflag:s26] =	ssyncset.done @!p0 $0x0  }
0x8f: {  	[sflag:s26] =	ssyncadd.s32 @!p0 $0xFFFFE000  }
0x90: {  	v14 =	vld [tilespmem:$0x6500]  }
0x91: {  	v13 =	vld [tilespmem:$0x6510]  }
0x92: {  	v12 =	vld [tilespmem:$0x6520]  }
0x93: {  	v11 =	vld [tilespmem:$0x6530]  }
0x94: {  	s26 =	simm.s32 $0x0;
	v10 =	vld [tilespmem:$0x6540]  }
0x95: {  	v9 =	vld [tilespmem:$0x6550];
	v15 =	vadd.s32 s26, v14  }
0x96: {  	v8 =	vld [tilespmem:$0x6560];
	v17 =	vadd.s32 s26, v13;
	v16 =	vadd.s32 v0, v15  }
0x97: {  	v18 =	vadd.s32 s26, v12;
	v17 =	vadd.s32 v1, v17  }
0x98: {  	v19 =	vadd.s32 s26, v11;
	v18 =	vadd.s32 v2, v18  }
0x99: {  	v20 =	vadd.s32 s26, v10;
	v19 =	vadd.s32 v3, v19  }
0x9a: {  	v21 =	vadd.s32 s26, v9;
	v15 =	vld [tilespmem:$0x6570];
	v20 =	vadd.s32 v4, v20  }
0x9b: {  	s28 =	simm.s32 $0x1;
	v22 =	vadd.s32 s26, v8;
	v21 =	vadd.s32 v5, v21;
	v16 =	vld.idx.msk [tilespmem:v16+s13+$0x0], $0xffff  }
0x9c: {  	v25 =	vadd.s32 s28, v14;
	v22 =	vadd.s32 v6, v22;
	v17 =	vld.idx.msk [tilespmem:v17+s13+$0x0], $0xffff  }
0x9d: {  	v26 =	vadd.s32 s28, v13;
	v25 =	vadd.s32 v0, v25;
	v18 =	vld.idx.msk [tilespmem:v18+s13+$0x0], $0xffff  }
0x9e: {  	v27 =	vadd.s32 s28, v12;
	v26 =	vadd.s32 v1, v26;
	v19 =	vld.idx.msk [tilespmem:v19+s13+$0x0], $0xffff  }
0x9f: {  	v28 =	vadd.s32 s28, v11;
	v27 =	vadd.s32 v2, v27;
	v20 =	vld.idx.msk [tilespmem:v20+s13+$0x0], $0xffff  }
0xa0: {  	v29 =	vadd.s32 s28, v10;
	v28 =	vadd.s32 v3, v28;
	v21 =	vld.idx.msk [tilespmem:v21+s13+$0x0], $0xffff  }
0xa1: {  	v30 =	vadd.s32 s28, v9;
	v29 =	vadd.s32 v4, v29;
	v22 =	vld.idx.msk [tilespmem:v22+s13+$0x0], $0xffff  }
0xa2: {  	v31 =	vadd.s32 s28, v8;
	v30 =	vadd.s32 v5, v30;
	v25 =	vld.idx.msk [tilespmem:v25+s13+$0x0], $0xffff  }
0xa3: {  	v31 =	vadd.s32 v6, v31;
	v23 =	vadd.s32 s28, v15;
	v26 =	vld.idx.msk [tilespmem:v26+s13+$0x0], $0xffff  }
0xa4: {  	v24 =	vadd.s32 s26, v15;
	v27 =	vld.idx.msk [tilespmem:v27+s13+$0x0], $0xffff;
	v23 =	vadd.s32 v7, v23  }
0xa5: {  	v28 =	vld.idx.msk [tilespmem:v28+s13+$0x0], $0xffff;
	v24 =	vadd.s32 v7, v24  }
0xa6: {  	v29 =	vld.idx.msk [tilespmem:v29+s13+$0x0], $0xffff  }
0xa7: {  	v30 =	vld.idx.msk [tilespmem:v30+s13+$0x0], $0xffff  }
0xa8: {  	v31 =	vld.idx.msk [tilespmem:v31+s13+$0x0], $0xffff;
	v16 =	vmul.f32 $8.000000000e+00, v16  }
0xa9: {  	s26 =	simm.s32 $0xE680;
	v25 =	vmul.f32 $8.000000000e+00, v25;
	v23 =	vld.idx.msk [tilespmem:v23+s13+$0x0], $0xffff  }
0xaa: {  	v17 =	vmul.f32 $8.000000000e+00, v17;
	v24 =	vld.idx.msk [tilespmem:v24+s13+$0x0], $0xffff;
	[tilespmem:s26+$0xFFFFFF80] =	vst v16  }
0xab: {  	v16 =	vmul.f32 $8.000000000e+00, v26;
	[tilespmem:s26+$0x0] =	vst v25  }
0xac: {  	[tilespmem:s26+$0xFFFFFF90] =	vst v17;
	v17 =	vmul.f32 $8.000000000e+00, v20  }
0xad: {  	[tilespmem:s26+$0x10] =	vst v16;
	v16 =	vmul.f32 $8.000000000e+00, v28  }
0xae: {  	[tilespmem:s26+$0xFFFFFFC0] =	vst v17;
	v23 =	vmul.f32 $8.000000000e+00, v23  }
0xaf: {  	[tilespmem:s26+$0x30] =	vst v16;
	v16 =	vmul.f32 $8.000000000e+00, v30  }
0xb0: {  	[tilespmem:s26+$0x70] =	vst v23;
	v23 =	vmul.f32 $8.000000000e+00, v27  }
0xb1: {  	s28 =	simm.s32 $0x2;
	[tilespmem:s26+$0x50] =	vst v16;
	v16 =	vmul.f32 $8.000000000e+00, v18  }
0xb2: {  	v18 =	vmul.f32 $8.000000000e+00, v19;
	v19 =	vadd.s32 s28, v14;
	[tilespmem:s26+$0x20] =	vst v23  }
0xb3: {  	v20 =	vadd.s32 v0, v19;
	v19 =	vmul.f32 $8.000000000e+00, v22;
	[tilespmem:s26+$0xFFFFFFA0] =	vst v16  }
0xb4: {  	v23 =	vmul.f32 $8.000000000e+00, v29;
	[tilespmem:s26+$0xFFFFFFB0] =	vst v18  }
0xb5: {  	v17 =	vadd.s32 s28, v13;
	v16 =	vmul.f32 $8.000000000e+00, v21;
	[tilespmem:s26+$0xFFFFFFE0] =	vst v19  }
0xb6: {  	v22 =	vmul.f32 $8.000000000e+00, v24;
	v18 =	vadd.s32 s28, v12;
	v21 =	vadd.s32 v1, v17;
	[tilespmem:s26+$0x40] =	vst v23  }
0xb7: {  	v18 =	vadd.s32 v2, v18;
	v23 =	vmul.f32 $8.000000000e+00, v31;
	[tilespmem:s26+$0xFFFFFFD0] =	vst v16;
	v16 =	vadd.s32 s28, v11  }
0xb8: {  	[tilespmem:s26+$0xFFFFFFF0] =	vst v22;
	v17 =	vadd.s32 v3, v16;
	v16 =	vadd.s32 s28, v10  }
0xb9: {  	[tilespmem:s26+$0x60] =	vst v23;
	v23 =	vadd.s32 s28, v9;
	v19 =	vadd.s32 v4, v16  }
0xba: {  	s31 =	simm.s32 $0x3;
	s29 =	simm.s32 $0x4;
	v22 =	vadd.s32 s28, v8;
	v16 =	vld.idx.msk [tilespmem:v20+s13+$0x0], $0xffff;
	v20 =	vadd.s32 v5, v23  }
.LBB2_3:
0xbb: {  	p1 =	sne.s32 s29, $0x3E;
	v21 =	vld.idx.msk [tilespmem:v21+s13+$0x0], $0xffff;
	v22 =	vadd.s32 v6, v22;
	v23 =	vadd.s32 s31, v15  }
0xbc: {  	v24 =	vadd.s32 s28, v15;
	s28 =	smov.u32 s29;
	v18 =	vld.idx.msk [tilespmem:v18+s13+$0x0], $0xffff;
	v23 =	vadd.s32 v7, v23  }
0xbd: {  	v25 =	vadd.s32 s31, v14;
	v24 =	vadd.s32 v7, v24;
	v17 =	vld.idx.msk [tilespmem:v17+s13+$0x0], $0xffff  }
0xbe: {  	v26 =	vadd.s32 s31, v13;
	v25 =	vadd.s32 v0, v25;
	v19 =	vld.idx.msk [tilespmem:v19+s13+$0x0], $0xffff  }
0xbf: {  	v27 =	vadd.s32 s31, v12;
	v26 =	vadd.s32 v1, v26;
	v20 =	vld.idx.msk [tilespmem:v20+s13+$0x0], $0xffff  }
0xc0: {  	v28 =	vadd.s32 s31, v11;
	v27 =	vadd.s32 v2, v27;
	v16 =	vmul.f32 $8.000000000e+00, v16;
	v22 =	vld.idx.msk [tilespmem:v22+s13+$0x0], $0xffff  }
0xc1: {  	v29 =	vadd.s32 s31, v10;
	v28 =	vadd.s32 v3, v28;
	v21 =	vmul.f32 $8.000000000e+00, v21;
	v23 =	vld.idx.msk [tilespmem:v23+s13+$0x0], $0xffff  }
0xc2: {  	v30 =	vadd.s32 s31, v9;
	v29 =	vadd.s32 v4, v29;
	v18 =	vmul.f32 $8.000000000e+00, v18;
	v24 =	vld.idx.msk [tilespmem:v24+s13+$0x0], $0xffff  }
0xc3: {  	v31 =	vadd.s32 s31, v8;
	v30 =	vadd.s32 v5, v30;
	v17 =	vmul.f32 $8.000000000e+00, v17;
	v25 =	vld.idx.msk [tilespmem:v25+s13+$0x0], $0xffff  }
0xc4: {  	v31 =	vadd.s32 v6, v31;
	v19 =	vmul.f32 $8.000000000e+00, v19;
	v26 =	vld.idx.msk [tilespmem:v26+s13+$0x0], $0xffff  }
0xc5: {  	v20 =	vmul.f32 $8.000000000e+00, v20;
	v27 =	vld.idx.msk [tilespmem:v27+s13+$0x0], $0xffff  }
0xc6: {  	v22 =	vmul.f32 $8.000000000e+00, v22;
	v28 =	vld.idx.msk [tilespmem:v28+s13+$0x0], $0xffff  }
0xc7: {  	v23 =	vmul.f32 $8.000000000e+00, v23;
	v29 =	vld.idx.msk [tilespmem:v29+s13+$0x0], $0xffff  }
0xc8: {  	s26 =	sadd.s32 $0x100, s26;
	v24 =	vmul.f32 $8.000000000e+00, v24;
	v30 =	vld.idx.msk [tilespmem:v30+s13+$0x0], $0xffff  }
0xc9: {  	v25 =	vmul.f32 $8.000000000e+00, v25;
	v31 =	vld.idx.msk [tilespmem:v31+s13+$0x0], $0xffff;
	[tilespmem:s26+$0x70] =	vst v23  }
0xca: {  	[tilespmem:s26+$0xFFFFFF80] =	vst v16;
	v16 =	vmul.f32 $8.000000000e+00, v26  }
0xcb: {  	v23 =	vmul.f32 $8.000000000e+00, v27;
	[tilespmem:s26+$0x0] =	vst v25  }
0xcc: {  	[tilespmem:s26+$0x10] =	vst v16;
	v16 =	vmul.f32 $8.000000000e+00, v28  }
0xcd: {  	[tilespmem:s26+$0x20] =	vst v23;
	v23 =	vmul.f32 $8.000000000e+00, v29  }
0xce: {  	[tilespmem:s26+$0x30] =	vst v16;
	v16 =	vmul.f32 $8.000000000e+00, v30  }
0xcf: {  	[tilespmem:s26+$0x40] =	vst v23;
	v23 =	vmul.f32 $8.000000000e+00, v31  }
0xd0: {  	[tilespmem:s26+$0x50] =	vst v16  }
0xd1: {  	[tilespmem:s26+$0x60] =	vst v23  }
0xd2: {  	[tilespmem:s26+$0xFFFFFF90] =	vst v21  }
0xd3: {  	v16 =	vadd.s32 s29, v14;
	[tilespmem:s26+$0xFFFFFFA0] =	vst v18  }
0xd4: {  	v16 =	vadd.s32 v0, v16;
	v18 =	vadd.s32 s29, v13;
	[tilespmem:s26+$0xFFFFFFB0] =	vst v17  }
.Ltmp0:
0xd5: {  	v21 =	vadd.s32 v1, v18;
	v17 =	vadd.s32 s29, v12;
	[tilespmem:s26+$0xFFFFFFC0] =	vst v19;
	(pc) =	sbr.rel @p1 .LBB2_3-.Ltmp0, $4  }
0xd6: {  	v18 =	vadd.s32 v2, v17;
	v17 =	vadd.s32 s29, v11;
	[tilespmem:s26+$0xFFFFFFD0] =	vst v20  }
0xd7: {  	v19 =	vadd.s32 s29, v10;
	v17 =	vadd.s32 v3, v17;
	[tilespmem:s26+$0xFFFFFFE0] =	vst v22  }
0xd8: {  	v19 =	vadd.s32 v4, v19;
	v20 =	vadd.s32 s29, v9;
	[tilespmem:s26+$0xFFFFFFF0] =	vst v24  }
0xd9: {  	s31 =	sadd.s32 $0x1, s28;
	s29 =	sadd.s32 $0x2, s29;
	v20 =	vadd.s32 v5, v20;
	v22 =	vadd.s32 s28, v8;
	v16 =	vld.idx.msk [tilespmem:v16+s13+$0x0], $0xffff  }
0xda: {  	_ =	sdelay $0x3  }
0xdb: {  	v21 =	vld.idx.msk [tilespmem:v21+s13+$0x0], $0xffff;
	v22 =	vadd.s32 v6, v22;
	v23 =	vadd.s32 s31, v15  }
0xdc: {  	v18 =	vld.idx.msk [tilespmem:v18+s13+$0x0], $0xffff;
	v58 =	vadd.s32 s28, v15;
	v23 =	vadd.s32 v7, v23  }
0xdd: {  	v17 =	vld.idx.msk [tilespmem:v17+s13+$0x0], $0xffff;
	v14 =	vadd.s32 s31, v14;
	v15 =	vadd.s32 v7, v58  }
0xde: {  	v19 =	vld.idx.msk [tilespmem:v19+s13+$0x0], $0xffff;
	v13 =	vadd.s32 s31, v13;
	v14 =	vadd.s32 v0, v14  }
0xdf: {  	v20 =	vld.idx.msk [tilespmem:v20+s13+$0x0], $0xffff;
	v12 =	vadd.s32 s31, v12;
	v13 =	vadd.s32 v1, v13  }
0xe0: {  	v11 =	vadd.s32 s31, v11;
	v12 =	vadd.s32 v2, v12;
	v22 =	vld.idx.msk [tilespmem:v22+s13+$0x0], $0xffff  }
0xe1: {  	v10 =	vadd.s32 s31, v10;
	v11 =	vadd.s32 v3, v11;
	v23 =	vld.idx.msk [tilespmem:v23+s13+$0x0], $0xffff  }
0xe2: {  	v9 =	vadd.s32 s31, v9;
	v10 =	vadd.s32 v4, v10;
	v15 =	vld.idx.msk [tilespmem:v15+s13+$0x0], $0xffff  }
0xe3: {  	v8 =	vadd.s32 s31, v8;
	v9 =	vadd.s32 v5, v9;
	v14 =	vld.idx.msk [tilespmem:v14+s13+$0x0], $0xffff  }
0xe4: {  	v8 =	vadd.s32 v6, v8;
	v13 =	vld.idx.msk [tilespmem:v13+s13+$0x0], $0xffff  }
0xe5: {  	v12 =	vld.idx.msk [tilespmem:v12+s13+$0x0], $0xffff  }
0xe6: {  	v11 =	vld.idx.msk [tilespmem:v11+s13+$0x0], $0xffff  }
0xe7: {  	v16 =	vmul.f32 $8.000000000e+00, v16;
	v10 =	vld.idx.msk [tilespmem:v10+s13+$0x0], $0xffff  }
0xe8: {  	s26 =	sadd.s32 $0x100, s26;
	v59 =	vmul.f32 $8.000000000e+00, v21;
	v9 =	vld.idx.msk [tilespmem:v9+s13+$0x0], $0xffff  }
0xe9: {  	v60 =	vmul.f32 $8.000000000e+00, v18;
	v8 =	vld.idx.msk [tilespmem:v8+s13+$0x0], $0xffff;
	[tilespmem:s26+$0xFFFFFF80] =	vst v16  }
0xea: {  	v61 =	vmul.f32 $8.000000000e+00, v19;
	[tilespmem:s26+$0xFFFFFF90] =	vst v59  }
0xeb: {  	v62 =	vmul.f32 $8.000000000e+00, v20;
	[tilespmem:s26+$0xFFFFFFA0] =	vst v60  }
0xec: {  	[tilespmem:s26+$0xFFFFFFC0] =	vst v61;
	v23 =	vmul.f32 $8.000000000e+00, v23  }
0xed: {  	[tilespmem:s26+$0xFFFFFFD0] =	vst v62;
	v14 =	vmul.f32 $8.000000000e+00, v14  }
0xee: {  	v13 =	vmul.f32 $8.000000000e+00, v13;
	[tilespmem:s26+$0x70] =	vst v23  }
0xef: {  	v12 =	vmul.f32 $8.000000000e+00, v12;
	[tilespmem:s26+$0x0] =	vst v14  }
0xf0: {  	v11 =	vmul.f32 $8.000000000e+00, v11;
	[tilespmem:s26+$0x10] =	vst v13  }
0xf1: {  	v10 =	vmul.f32 $8.000000000e+00, v10;
	[tilespmem:s26+$0x20] =	vst v12  }
0xf2: {  	v8 =	vmul.f32 $8.000000000e+00, v8;
	[tilespmem:s26+$0x30] =	vst v11  }
0xf3: {  	v9 =	vmul.f32 $8.000000000e+00, v9;
	[tilespmem:s26+$0x40] =	vst v10  }
0xf4: {  	p1 =	seq.s32 s24, $0x63;
	[tilespmem:s26+$0x60] =	vst v8;
	v8 =	vmul.f32 $8.000000000e+00, v17  }
.Ltmp1:
0xf5: {  	s29 =	sshll.u32 s24, $0x13;
	v63 =	vmul.f32 $8.000000000e+00, v15;
	[tilespmem:s26+$0x50] =	vst v9;
	(pc) =	sbr.rel @p1 .LBB2_6-.Ltmp1, $4  }
0xf6: {  	s28 =	sor.u32 s4, s29;
	[tilespmem:s26+$0xFFFFFFB0] =	vst v8;
	v8 =	vmul.f32 $8.000000000e+00, v22  }
0xf7: {  	s28 =	sshrl.u32 s28, $0x3;
	[tilespmem:s26+$0xFFFFFFF0] =	vst v63  }
0xf8: {  	s31 =	sadd.s32 s1, s28;
	[tilespmem:s26+$0xFFFFFFE0] =	vst v8  }
0xf9: {  	[hbm4b:s31+s8] =	stream.strided.scatter [tilespmem:s21], [sflag:$0x3], $0x2000, s9, s8, $0x38;
	[tilespmem:$0x12600] =	vst v63  }
0xfa: {  	s26 =	sshll.u32 s24, $0x8  }
0xfb: {  	s26 =	sand.u32 $0x3FFFFF00, s26  }
0xfc: {  	v8 =	vld [tilespmem:s26+$0x100];
	_ =	sdelay $0x4  }
0xfd: {  	v9 =	vshrl.u32 v8, $0x1;
	v10 =	vand.u32 $0xFFF, v8;
	v8 =	vshrl.u32 v8, $0x6  }
0xfe: {  	v9 =	vand.u32 $0x7FFFF000, v9;
	v8 =	vand.u32 $0x40, v8  }
0xff: {  	v9 =	vor.u32 v10, v9;
	[tilespmem:$0x6500] =	vst v8  }
0x100: {  	[tilespmem:$0x6400] =	vst v9  }
0x101: {  	v8 =	vld [tilespmem:s26+$0x110];
	_ =	sdelay $0x4  }
0x102: {  	v50 =	vshrl.u32 v8, $0x1;
	v51 =	vand.u32 $0xFFF, v8;
	v8 =	vshrl.u32 v8, $0x6  }
0x103: {  	v9 =	vand.u32 $0x7FFFF000, v50;
	v8 =	vand.u32 $0x40, v8  }
0x104: {  	v9 =	vor.u32 v51, v9;
	[tilespmem:$0x6510] =	vst v8  }
0x105: {  	[tilespmem:$0x6410] =	vst v9  }
0x106: {  	v8 =	vld [tilespmem:s26+$0x120];
	_ =	sdelay $0x4  }
0x107: {  	v52 =	vshrl.u32 v8, $0x1;
	v53 =	vand.u32 $0xFFF, v8;
	v8 =	vshrl.u32 v8, $0x6  }
0x108: {  	v9 =	vand.u32 $0x7FFFF000, v52;
	v8 =	vand.u32 $0x40, v8  }
0x109: {  	v9 =	vor.u32 v53, v9;
	[tilespmem:$0x6520] =	vst v8  }
0x10a: {  	[tilespmem:$0x6420] =	vst v9  }
0x10b: {  	v8 =	vld [tilespmem:s26+$0x130];
	_ =	sdelay $0x4  }
0x10c: {  	v54 =	vshrl.u32 v8, $0x1;
	v55 =	vand.u32 $0xFFF, v8;
	v8 =	vshrl.u32 v8, $0x6  }
0x10d: {  	v9 =	vand.u32 $0x7FFFF000, v54;
	v8 =	vand.u32 $0x40, v8  }
0x10e: {  	v9 =	vor.u32 v55, v9;
	[tilespmem:$0x6530] =	vst v8  }
0x10f: {  	[tilespmem:$0x6430] =	vst v9  }
0x110: {  	v8 =	vld [tilespmem:s26+$0x140];
	_ =	sdelay $0x4  }
0x111: {  	v56 =	vshrl.u32 v8, $0x1;
	v57 =	vand.u32 $0xFFF, v8;
	v8 =	vshrl.u32 v8, $0x6  }
0x112: {  	v9 =	vand.u32 $0x7FFFF000, v56;
	v8 =	vand.u32 $0x40, v8  }
0x113: {  	v9 =	vor.u32 v57, v9;
	[tilespmem:$0x6540] =	vst v8  }
0x114: {  	[tilespmem:$0x6440] =	vst v9  }
0x115: {  	v8 =	vld [tilespmem:s26+$0x150];
	_ =	sdelay $0x4  }
0x116: {  	v58 =	vshrl.u32 v8, $0x1;
	v59 =	vand.u32 $0xFFF, v8;
	v8 =	vshrl.u32 v8, $0x6  }
0x117: {  	v9 =	vand.u32 $0x7FFFF000, v58;
	v8 =	vand.u32 $0x40, v8  }
0x118: {  	v9 =	vor.u32 v59, v9;
	[tilespmem:$0x6550] =	vst v8  }
0x119: {  	[tilespmem:$0x6450] =	vst v9  }
0x11a: {  	v8 =	vld [tilespmem:s26+$0x160];
	_ =	sdelay $0x4  }
0x11b: {  	v60 =	vshrl.u32 v8, $0x1;
	v61 =	vand.u32 $0xFFF, v8;
	v8 =	vshrl.u32 v8, $0x6  }
0x11c: {  	v9 =	vand.u32 $0x7FFFF000, v60;
	v8 =	vand.u32 $0x40, v8  }
0x11d: {  	v9 =	vor.u32 v61, v9;
	[tilespmem:$0x6560] =	vst v8  }
0x11e: {  	[tilespmem:$0x6460] =	vst v9  }
0x11f: {  	v8 =	vld [tilespmem:s26+$0x170];
	_ =	sdelay $0x4  }
0x120: {  	v62 =	vshrl.u32 v8, $0x1;
	v63 =	vand.u32 $0xFFF, v8;
	v8 =	vshrl.u32 v8, $0x6  }
0x121: {  	v9 =	vand.u32 $0x7FFFF000, v62;
	v8 =	vand.u32 $0x40, v8  }
0x122: {  	v9 =	vor.u32 v63, v9;
	[tilespmem:$0x6570] =	vst v8  }
0x123: {  	s29 =	simm.s32 $0x6400;
	[tilespmem:$0x6470] =	vst v9  }
0x124: {  	[tilespmem:s13], [sflag:$0x1] =	stream.indirect.gather [hbm4b:s5+s11], $0x80, s29, s11, $0xb8;
	[tilespmem:$0x12600] =	vst v63  }
0x125: {  	s31 =	simm.s32 $0x6410;
	s28 =	simm.s32 $0x6E00  }
0x126: {  	[tilespmem:s28], [sflag:$0x1] =	stream.indirect.gather [hbm4b:s5+s11], $0x80, s31, s11, $0xb8;
	[tilespmem:$0x12600] =	vst v63  }
0x127: {  	s29 =	simm.s32 $0x6420;
	s31 =	simm.s32 $0x7600  }
0x128: {  	[tilespmem:s31], [sflag:$0x1] =	stream.indirect.gather [hbm4b:s5+s11], $0x80, s29, s11, $0xb8;
	[tilespmem:$0x12600] =	vst v63  }
0x129: {  	s29 =	simm.s32 $0x6430;
	s31 =	simm.s32 $0x7E00  }
0x12a: {  	[tilespmem:s31], [sflag:$0x1] =	stream.indirect.gather [hbm4b:s5+s11], $0x80, s29, s11, $0xb8;
	[tilespmem:$0x12600] =	vst v63  }
0x12b: {  	s29 =	simm.s32 $0x6440;
	s31 =	simm.s32 $0x8600  }
0x12c: {  	[tilespmem:s31], [sflag:$0x1] =	stream.indirect.gather [hbm4b:s5+s11], $0x80, s29, s11, $0xb8;
	[tilespmem:$0x12600] =	vst v63  }
0x12d: {  	s29 =	simm.s32 $0x6450;
	s31 =	simm.s32 $0x8E00  }
0x12e: {  	[tilespmem:s31], [sflag:$0x1] =	stream.indirect.gather [hbm4b:s5+s11], $0x80, s29, s11, $0xb8;
	[tilespmem:$0x12600] =	vst v63  }
0x12f: {  	s29 =	simm.s32 $0x6460;
	s31 =	simm.s32 $0x9600  }
0x130: {  	[tilespmem:s31], [sflag:$0x1] =	stream.indirect.gather [hbm4b:s5+s11], $0x80, s29, s11, $0xb8;
	[tilespmem:$0x12600] =	vst v63  }
0x131: {  	s29 =	simm.s32 $0x6470;
	s31 =	simm.s32 $0x9E00  }
0x132: {  	[tilespmem:s31], [sflag:$0x1] =	stream.indirect.gather [hbm4b:s5+s11], $0x80, s29, s11, $0xb8;
	[tilespmem:$0x12600] =	vst v63  }
.LBB2_6:
0x133: {  	_ =	swait.ge [sflag:s22], $0x800  }
0x134: {  	[sflag:s22] =	ssyncset.done $0x0  }
0x135: {  	[sflag:s22] =	ssyncadd.s32 $0xFFFFF800  }
0x136: {  	_ =	swait.ge [sflag:s22], $0x800  }
0x137: {  	[sflag:s22] =	ssyncset.done $0x0  }
0x138: {  	[sflag:s22] =	ssyncadd.s32 $0xFFFFF800  }
0x139: {  	_ =	swait.ge [sflag:s22], $0x800  }
0x13a: {  	[sflag:s22] =	ssyncset.done $0x0  }
0x13b: {  	[sflag:s22] =	ssyncadd.s32 $0xFFFFF800  }
0x13c: {  	_ =	swait.ge [sflag:s22], $0x800  }
0x13d: {  	[sflag:s22] =	ssyncset.done $0x0  }
0x13e: {  	[sflag:s22] =	ssyncadd.s32 $0xFFFFF800  }
0x13f: {  	_ =	swait.ge [sflag:s22], $0x800  }
0x140: {  	[sflag:s22] =	ssyncset.done $0x0  }
0x141: {  	[sflag:s22] =	ssyncadd.s32 $0xFFFFF800  }
0x142: {  	_ =	swait.ge [sflag:s22], $0x800  }
0x143: {  	[sflag:s22] =	ssyncset.done $0x0  }
0x144: {  	[sflag:s22] =	ssyncadd.s32 $0xFFFFF800  }
0x145: {  	_ =	swait.ge [sflag:s22], $0x800  }
0x146: {  	[sflag:s22] =	ssyncset.done $0x0  }
0x147: {  	[sflag:s22] =	ssyncadd.s32 $0xFFFFF800  }
0x148: {  	_ =	swait.ge [sflag:s22], $0x800  }
0x149: {  	[sflag:s22] =	ssyncset.done $0x0  }
0x14a: {  	s26 =	simm.s32 @!p0 $0x4;
	[sflag:s22] =	ssyncadd.s32 $0xFFFFF800  }
0x14b: {  	_ =	swait.ge @!p0 [sflag:s26], $0x2000  }
0x14c: {  	[sflag:s26] =	ssyncset.done @!p0 $0x0  }
0x14d: {  	[sflag:s26] =	ssyncadd.s32 @!p0 $0xFFFFE000  }
0x14e: {  	v14 =	vld [tilespmem:$0x6580]  }
0x14f: {  	v13 =	vld [tilespmem:$0x6590]  }
0x150: {  	v12 =	vld [tilespmem:$0x65A0]  }
0x151: {  	v11 =	vld [tilespmem:$0x65B0]  }
0x152: {  	s26 =	simm.s32 $0x0;
	v10 =	vld [tilespmem:$0x65C0]  }
0x153: {  	v9 =	vld [tilespmem:$0x65D0];
	v15 =	vadd.s32 s26, v14  }
0x154: {  	v8 =	vld [tilespmem:$0x65E0];
	v17 =	vadd.s32 s26, v13;
	v16 =	vadd.s32 v0, v15  }
0x155: {  	v18 =	vadd.s32 s26, v12;
	v17 =	vadd.s32 v1, v17  }
0x156: {  	v19 =	vadd.s32 s26, v11;
	v18 =	vadd.s32 v2, v18  }
0x157: {  	v20 =	vadd.s32 s26, v10;
	v19 =	vadd.s32 v3, v19  }
0x158: {  	v21 =	vadd.s32 s26, v9;
	v15 =	vld [tilespmem:$0x65F0];
	v20 =	vadd.s32 v4, v20  }
0x159: {  	s28 =	simm.s32 $0x1;
	v22 =	vadd.s32 s26, v8;
	v21 =	vadd.s32 v5, v21;
	v16 =	vld.idx.msk [tilespmem:v16+s30+$0x0], $0xffff  }
0x15a: {  	v25 =	vadd.s32 s28, v14;
	v22 =	vadd.s32 v6, v22;
	v17 =	vld.idx.msk [tilespmem:v17+s30+$0x0], $0xffff  }
0x15b: {  	v26 =	vadd.s32 s28, v13;
	v25 =	vadd.s32 v0, v25;
	v18 =	vld.idx.msk [tilespmem:v18+s30+$0x0], $0xffff  }
0x15c: {  	v27 =	vadd.s32 s28, v12;
	v26 =	vadd.s32 v1, v26;
	v19 =	vld.idx.msk [tilespmem:v19+s30+$0x0], $0xffff  }
0x15d: {  	v28 =	vadd.s32 s28, v11;
	v27 =	vadd.s32 v2, v27;
	v20 =	vld.idx.msk [tilespmem:v20+s30+$0x0], $0xffff  }
0x15e: {  	v29 =	vadd.s32 s28, v10;
	v28 =	vadd.s32 v3, v28;
	v21 =	vld.idx.msk [tilespmem:v21+s30+$0x0], $0xffff  }
0x15f: {  	v30 =	vadd.s32 s28, v9;
	v29 =	vadd.s32 v4, v29;
	v22 =	vld.idx.msk [tilespmem:v22+s30+$0x0], $0xffff  }
0x160: {  	v31 =	vadd.s32 s28, v8;
	v30 =	vadd.s32 v5, v30;
	v25 =	vld.idx.msk [tilespmem:v25+s30+$0x0], $0xffff  }
0x161: {  	v31 =	vadd.s32 v6, v31;
	v23 =	vadd.s32 s28, v15;
	v26 =	vld.idx.msk [tilespmem:v26+s30+$0x0], $0xffff  }
0x162: {  	v24 =	vadd.s32 s26, v15;
	v27 =	vld.idx.msk [tilespmem:v27+s30+$0x0], $0xffff;
	v23 =	vadd.s32 v7, v23  }
0x163: {  	v28 =	vld.idx.msk [tilespmem:v28+s30+$0x0], $0xffff;
	v24 =	vadd.s32 v7, v24  }
0x164: {  	v29 =	vld.idx.msk [tilespmem:v29+s30+$0x0], $0xffff  }
0x165: {  	v30 =	vld.idx.msk [tilespmem:v30+s30+$0x0], $0xffff  }
0x166: {  	v31 =	vld.idx.msk [tilespmem:v31+s30+$0x0], $0xffff;
	v16 =	vmul.f32 $8.000000000e+00, v16  }
0x167: {  	s26 =	simm.s32 $0x10680;
	v25 =	vmul.f32 $8.000000000e+00, v25;
	v23 =	vld.idx.msk [tilespmem:v23+s30+$0x0], $0xffff  }
0x168: {  	v17 =	vmul.f32 $8.000000000e+00, v17;
	v24 =	vld.idx.msk [tilespmem:v24+s30+$0x0], $0xffff;
	[tilespmem:s26+$0xFFFFFF80] =	vst v16  }
0x169: {  	v16 =	vmul.f32 $8.000000000e+00, v26;
	[tilespmem:s26+$0x0] =	vst v25  }
0x16a: {  	[tilespmem:s26+$0xFFFFFF90] =	vst v17;
	v17 =	vmul.f32 $8.000000000e+00, v20  }
0x16b: {  	[tilespmem:s26+$0x10] =	vst v16;
	v16 =	vmul.f32 $8.000000000e+00, v28  }
0x16c: {  	[tilespmem:s26+$0xFFFFFFC0] =	vst v17;
	v23 =	vmul.f32 $8.000000000e+00, v23  }
0x16d: {  	[tilespmem:s26+$0x30] =	vst v16;
	v16 =	vmul.f32 $8.000000000e+00, v30  }
0x16e: {  	[tilespmem:s26+$0x70] =	vst v23;
	v23 =	vmul.f32 $8.000000000e+00, v27  }
0x16f: {  	s28 =	simm.s32 $0x2;
	[tilespmem:s26+$0x50] =	vst v16;
	v16 =	vmul.f32 $8.000000000e+00, v18  }
0x170: {  	v18 =	vmul.f32 $8.000000000e+00, v19;
	v19 =	vadd.s32 s28, v14;
	[tilespmem:s26+$0x20] =	vst v23  }
0x171: {  	v20 =	vadd.s32 v0, v19;
	v19 =	vmul.f32 $8.000000000e+00, v22;
	[tilespmem:s26+$0xFFFFFFA0] =	vst v16  }
0x172: {  	v23 =	vmul.f32 $8.000000000e+00, v29;
	[tilespmem:s26+$0xFFFFFFB0] =	vst v18  }
0x173: {  	v17 =	vadd.s32 s28, v13;
	v16 =	vmul.f32 $8.000000000e+00, v21;
	[tilespmem:s26+$0xFFFFFFE0] =	vst v19  }
0x174: {  	v22 =	vmul.f32 $8.000000000e+00, v24;
	v18 =	vadd.s32 s28, v12;
	v21 =	vadd.s32 v1, v17;
	[tilespmem:s26+$0x40] =	vst v23  }
0x175: {  	v18 =	vadd.s32 v2, v18;
	v23 =	vmul.f32 $8.000000000e+00, v31;
	[tilespmem:s26+$0xFFFFFFD0] =	vst v16;
	v16 =	vadd.s32 s28, v11  }
0x176: {  	[tilespmem:s26+$0xFFFFFFF0] =	vst v22;
	v17 =	vadd.s32 v3, v16;
	v16 =	vadd.s32 s28, v10  }
0x177: {  	[tilespmem:s26+$0x60] =	vst v23;
	v23 =	vadd.s32 s28, v9;
	v19 =	vadd.s32 v4, v16  }
0x178: {  	s31 =	simm.s32 $0x3;
	s29 =	simm.s32 $0x4;
	v22 =	vadd.s32 s28, v8;
	v16 =	vld.idx.msk [tilespmem:v20+s30+$0x0], $0xffff;
	v20 =	vadd.s32 v5, v23  }
.LBB2_7:
0x179: {  	p0 =	sne.s32 s29, $0x3E;
	v21 =	vld.idx.msk [tilespmem:v21+s30+$0x0], $0xffff;
	v22 =	vadd.s32 v6, v22;
	v23 =	vadd.s32 s31, v15  }
0x17a: {  	v24 =	vadd.s32 s28, v15;
	s28 =	smov.u32 s29;
	v18 =	vld.idx.msk [tilespmem:v18+s30+$0x0], $0xffff;
	v23 =	vadd.s32 v7, v23  }
0x17b: {  	v25 =	vadd.s32 s31, v14;
	v24 =	vadd.s32 v7, v24;
	v17 =	vld.idx.msk [tilespmem:v17+s30+$0x0], $0xffff  }
0x17c: {  	v26 =	vadd.s32 s31, v13;
	v25 =	vadd.s32 v0, v25;
	v19 =	vld.idx.msk [tilespmem:v19+s30+$0x0], $0xffff  }
0x17d: {  	v27 =	vadd.s32 s31, v12;
	v26 =	vadd.s32 v1, v26;
	v20 =	vld.idx.msk [tilespmem:v20+s30+$0x0], $0xffff  }
0x17e: {  	v28 =	vadd.s32 s31, v11;
	v27 =	vadd.s32 v2, v27;
	v16 =	vmul.f32 $8.000000000e+00, v16;
	v22 =	vld.idx.msk [tilespmem:v22+s30+$0x0], $0xffff  }
0x17f: {  	v29 =	vadd.s32 s31, v10;
	v28 =	vadd.s32 v3, v28;
	v21 =	vmul.f32 $8.000000000e+00, v21;
	v23 =	vld.idx.msk [tilespmem:v23+s30+$0x0], $0xffff  }
0x180: {  	v30 =	vadd.s32 s31, v9;
	v29 =	vadd.s32 v4, v29;
	v18 =	vmul.f32 $8.000000000e+00, v18;
	v24 =	vld.idx.msk [tilespmem:v24+s30+$0x0], $0xffff  }
0x181: {  	v31 =	vadd.s32 s31, v8;
	v30 =	vadd.s32 v5, v30;
	v17 =	vmul.f32 $8.000000000e+00, v17;
	v25 =	vld.idx.msk [tilespmem:v25+s30+$0x0], $0xffff  }
0x182: {  	v31 =	vadd.s32 v6, v31;
	v19 =	vmul.f32 $8.000000000e+00, v19;
	v26 =	vld.idx.msk [tilespmem:v26+s30+$0x0], $0xffff  }
0x183: {  	v20 =	vmul.f32 $8.000000000e+00, v20;
	v27 =	vld.idx.msk [tilespmem:v27+s30+$0x0], $0xffff  }
0x184: {  	v22 =	vmul.f32 $8.000000000e+00, v22;
	v28 =	vld.idx.msk [tilespmem:v28+s30+$0x0], $0xffff  }
0x185: {  	v23 =	vmul.f32 $8.000000000e+00, v23;
	v29 =	vld.idx.msk [tilespmem:v29+s30+$0x0], $0xffff  }
0x186: {  	s26 =	sadd.s32 $0x100, s26;
	v24 =	vmul.f32 $8.000000000e+00, v24;
	v30 =	vld.idx.msk [tilespmem:v30+s30+$0x0], $0xffff  }
0x187: {  	v25 =	vmul.f32 $8.000000000e+00, v25;
	v31 =	vld.idx.msk [tilespmem:v31+s30+$0x0], $0xffff;
	[tilespmem:s26+$0x70] =	vst v23  }
0x188: {  	[tilespmem:s26+$0xFFFFFF80] =	vst v16;
	v16 =	vmul.f32 $8.000000000e+00, v26  }
0x189: {  	v23 =	vmul.f32 $8.000000000e+00, v27;
	[tilespmem:s26+$0x0] =	vst v25  }
0x18a: {  	[tilespmem:s26+$0x10] =	vst v16;
	v16 =	vmul.f32 $8.000000000e+00, v28  }
0x18b: {  	[tilespmem:s26+$0x20] =	vst v23;
	v23 =	vmul.f32 $8.000000000e+00, v29  }
0x18c: {  	[tilespmem:s26+$0x30] =	vst v16;
	v16 =	vmul.f32 $8.000000000e+00, v30  }
0x18d: {  	[tilespmem:s26+$0x40] =	vst v23;
	v23 =	vmul.f32 $8.000000000e+00, v31  }
0x18e: {  	[tilespmem:s26+$0x50] =	vst v16  }
0x18f: {  	[tilespmem:s26+$0x60] =	vst v23  }
0x190: {  	[tilespmem:s26+$0xFFFFFF90] =	vst v21  }
0x191: {  	v16 =	vadd.s32 s29, v14;
	[tilespmem:s26+$0xFFFFFFA0] =	vst v18  }
0x192: {  	v16 =	vadd.s32 v0, v16;
	v18 =	vadd.s32 s29, v13;
	[tilespmem:s26+$0xFFFFFFB0] =	vst v17  }
.Ltmp2:
0x193: {  	v21 =	vadd.s32 v1, v18;
	v17 =	vadd.s32 s29, v12;
	[tilespmem:s26+$0xFFFFFFC0] =	vst v19;
	(pc) =	sbr.rel @p0 .LBB2_7-.Ltmp2, $4  }
0x194: {  	v18 =	vadd.s32 v2, v17;
	v17 =	vadd.s32 s29, v11;
	[tilespmem:s26+$0xFFFFFFD0] =	vst v20  }
0x195: {  	v19 =	vadd.s32 s29, v10;
	v17 =	vadd.s32 v3, v17;
	[tilespmem:s26+$0xFFFFFFE0] =	vst v22  }
0x196: {  	v19 =	vadd.s32 v4, v19;
	v20 =	vadd.s32 s29, v9;
	[tilespmem:s26+$0xFFFFFFF0] =	vst v24  }
0x197: {  	s31 =	sadd.s32 $0x1, s28;
	s29 =	sadd.s32 $0x2, s29;
	v20 =	vadd.s32 v5, v20;
	v22 =	vadd.s32 s28, v8;
	v16 =	vld.idx.msk [tilespmem:v16+s30+$0x0], $0xffff  }
0x198: {  	_ =	sdelay $0x3  }
0x199: {  	v21 =	vld.idx.msk [tilespmem:v21+s30+$0x0], $0xffff;
	v22 =	vadd.s32 v6, v22;
	v23 =	vadd.s32 s31, v15  }
0x19a: {  	v18 =	vld.idx.msk [tilespmem:v18+s30+$0x0], $0xffff;
	v58 =	vadd.s32 s28, v15;
	v23 =	vadd.s32 v7, v23  }
0x19b: {  	v17 =	vld.idx.msk [tilespmem:v17+s30+$0x0], $0xffff;
	v14 =	vadd.s32 s31, v14;
	v15 =	vadd.s32 v7, v58  }
0x19c: {  	v19 =	vld.idx.msk [tilespmem:v19+s30+$0x0], $0xffff;
	v13 =	vadd.s32 s31, v13;
	v14 =	vadd.s32 v0, v14  }
0x19d: {  	v20 =	vld.idx.msk [tilespmem:v20+s30+$0x0], $0xffff;
	v12 =	vadd.s32 s31, v12;
	v13 =	vadd.s32 v1, v13  }
0x19e: {  	v11 =	vadd.s32 s31, v11;
	v12 =	vadd.s32 v2, v12;
	v22 =	vld.idx.msk [tilespmem:v22+s30+$0x0], $0xffff  }
0x19f: {  	v10 =	vadd.s32 s31, v10;
	v11 =	vadd.s32 v3, v11;
	v23 =	vld.idx.msk [tilespmem:v23+s30+$0x0], $0xffff  }
0x1a0: {  	v9 =	vadd.s32 s31, v9;
	v10 =	vadd.s32 v4, v10;
	v15 =	vld.idx.msk [tilespmem:v15+s30+$0x0], $0xffff  }
0x1a1: {  	v8 =	vadd.s32 s31, v8;
	v9 =	vadd.s32 v5, v9;
	v14 =	vld.idx.msk [tilespmem:v14+s30+$0x0], $0xffff  }
0x1a2: {  	v8 =	vadd.s32 v6, v8;
	v13 =	vld.idx.msk [tilespmem:v13+s30+$0x0], $0xffff  }
0x1a3: {  	v12 =	vld.idx.msk [tilespmem:v12+s30+$0x0], $0xffff  }
0x1a4: {  	v11 =	vld.idx.msk [tilespmem:v11+s30+$0x0], $0xffff  }
0x1a5: {  	v16 =	vmul.f32 $8.000000000e+00, v16;
	v10 =	vld.idx.msk [tilespmem:v10+s30+$0x0], $0xffff  }
0x1a6: {  	s26 =	sadd.s32 $0x100, s26;
	v59 =	vmul.f32 $8.000000000e+00, v21;
	v9 =	vld.idx.msk [tilespmem:v9+s30+$0x0], $0xffff  }
0x1a7: {  	v60 =	vmul.f32 $8.000000000e+00, v18;
	v8 =	vld.idx.msk [tilespmem:v8+s30+$0x0], $0xffff;
	[tilespmem:s26+$0xFFFFFF80] =	vst v16  }
0x1a8: {  	v61 =	vmul.f32 $8.000000000e+00, v19;
	[tilespmem:s26+$0xFFFFFF90] =	vst v59  }
0x1a9: {  	v62 =	vmul.f32 $8.000000000e+00, v20;
	[tilespmem:s26+$0xFFFFFFA0] =	vst v60  }
0x1aa: {  	[tilespmem:s26+$0xFFFFFFC0] =	vst v61;
	v23 =	vmul.f32 $8.000000000e+00, v23  }
0x1ab: {  	[tilespmem:s26+$0xFFFFFFD0] =	vst v62;
	v14 =	vmul.f32 $8.000000000e+00, v14  }
0x1ac: {  	v13 =	vmul.f32 $8.000000000e+00, v13;
	[tilespmem:s26+$0x70] =	vst v23  }
0x1ad: {  	v12 =	vmul.f32 $8.000000000e+00, v12;
	[tilespmem:s26+$0x0] =	vst v14  }
0x1ae: {  	v11 =	vmul.f32 $8.000000000e+00, v11;
	[tilespmem:s26+$0x10] =	vst v13  }
0x1af: {  	v10 =	vmul.f32 $8.000000000e+00, v10;
	[tilespmem:s26+$0x20] =	vst v12  }
0x1b0: {  	v8 =	vmul.f32 $8.000000000e+00, v8;
	[tilespmem:s26+$0x30] =	vst v11  }
0x1b1: {  	s24 =	sadd.s32 $0x1, s24;
	v9 =	vmul.f32 $8.000000000e+00, v9;
	[tilespmem:s26+$0x40] =	vst v10  }
0x1b2: {  	p0 =	sne.s32 s24, $0x64;
	[tilespmem:s26+$0x60] =	vst v8;
	v8 =	vmul.f32 $8.000000000e+00, v17  }
.Ltmp3:
0x1b3: {  	s25 =	sshll.u32 s25, $0x12;
	v63 =	vmul.f32 $8.000000000e+00, v15;
	[tilespmem:s26+$0x50] =	vst v9;
	(pc) =	sbr.rel @p0 .LBB2_2-.Ltmp3, $4  }
0x1b4: {  	s25 =	sor.u32 s4, s25;
	[tilespmem:s26+$0xFFFFFFB0] =	vst v8;
	v8 =	vmul.f32 $8.000000000e+00, v22  }
0x1b5: {  	s25 =	sshrl.u32 s25, $0x3;
	[tilespmem:s26+$0xFFFFFFF0] =	vst v63  }
0x1b6: {  	s25 =	sadd.s32 s1, s25;
	[tilespmem:s26+$0xFFFFFFE0] =	vst v8  }
0x1b7: {  	[hbm4b:s25+s8] =	stream.strided.scatter [tilespmem:s23], [sflag:$0x4], $0x2000, s9, s8, $0x38;
	[tilespmem:$0x12600] =	vst v63  }
0x1b8: {  	s24 =	simm.s32 $0x3  }
0x1b9: {  	_ =	swait.ge [sflag:s24], $0x2000  }
0x1ba: {  	[sflag:s24] =	ssyncset.done $0x0  }
0x1bb: {  	s25 =	simm.s32 $0x4;
	[sflag:s24] =	ssyncadd.s32 $0xFFFFE000  }
0x1bc: {  	_ =	swait.ge [sflag:s25], $0x2000  }
0x1bd: {  	s26 =	rddreg [dreg:$0x6]  }
0x1be: {  	s31 =	rddreg [dreg:$0x5];
	s26 =	sadd.s32 $0x1, s26  }
0x1bf: {  	p0 =	sne.s32 s26, s31  }
.Ltmp4:
0x1c0: {  	_ = 	snop;
	(pc) =	sbr.rel @p0 .LBB2_1-.Ltmp4, $3  }
0x1c1: {  	_ =	sdelay $0x1  }
0x1c2: {  	[sflag:s25] =	ssyncset.done $0x0  }
0x1c3: {  	[sflag:s25] =	ssyncadd.s32 $0xFFFFE000  }
0x1c4: {  	_ =	sfence.sel $0x180000  }
0x1c5: {  	[bflag:$0x0] =	sbarrier.arrive $0xFFFF  }
0x1c6: {  	_ =	strace $0x90000047  }
0x1c7: {  	s0 =	stileid.u32;
	[bflag:$0x2] =	sbarrier.arrive $0xFFFF  }
0x1c8: {  	p0 =	sne.s32 s0, $0x0;
	s0 =	rddreg [dreg:$0x3]  }
0x1c9: {  	s0 =	sadd.s32 @!p0 $0x100000, s0  }
0x1ca: {  	[sflag:s0] =	ssyncadd.tile.s32 @!p0 $0x1;
	_ =	shalt  }
.Lfunc_end2:
_tile_overlayer_lowered:
.L_overlay_start_2:
0x1cb: {  	(tag) =	ssettag $0x2  }
0x1cc: {  	s0 =	rddreg [dreg:$0x0];
	s2 =	stileid.u32  }
0x1cd: {  	s1 =	rddreg [dreg:$0x1];
	p0 =	sne.s32 s2, $0x0  }
0x1ce: {  	s3 =	rddreg [dreg:$0x2];
	[bflag:$0x3] =	sbarrier.arrive $0xFFFF;
	s2 =	simm.s32 @!p0 $0x1C05  }
0x1cf: {  	[timem:s3], [sflag:s2] =	dma.local @!p0 [hbm:s0], s1  }
0x1d0: {  	s0 =	simm.s32 @!p0 $0x5  }
0x1d1: {  	_ =	swait.ge @!p0 [sflag:s0], s1  }
0x1d2: {  	s1 =	ssub.s32 @!p0 $0x0, s1;
	[sflag:s0] =	ssyncset.done @!p0 $0x0  }
0x1d3: {  	[sflag:s0] =	ssyncadd.s32 @!p0 s1  }
0x1d4: {  	[bflag:$0x3] =	sbarrier.arrive $0xFFFF  }
0x1d5: {  	_ =	shalt  }

</sc_bundles>
